<compile_context>
chip_gen: v7x
topology: tpu7x:2x2x1
jax: 0.10.2.dev20260603
libtpu: 0.0.44.dev20260713+nightly
codegen_flags: <defaults>
</compile_context>

<pallas_src>
import functools

import jax
import jax.numpy as jnp
from jax import lax
from jax.experimental import pallas as pl
from jax.experimental.pallas import tpu as pltpu
from jax.experimental.pallas import tpu_sc as plsc

MASK_PROP = 0.75


def _index_kernel(num_mask, rl_ref, rs_ref, i_ref, u_ref):
    n = rl_ref.shape[2]
    num_unmask = n - num_mask
    chunk = 48

    v = rl_ref[0, 0, :][None, :]
    rank = jnp.zeros((1, n), jnp.float32)
    for c in range(0, n, chunk):
        vj = rs_ref[0, c : c + chunk, :]
        rank = rank + jnp.sum((vj < v).astype(jnp.float32), axis=0, keepdims=True)
    ranki = rank.astype(jnp.int32)

    col = jax.lax.broadcasted_iota(jnp.int32, (chunk, n), 1)
    for c in range(0, num_mask, chunk):
        mk = jax.lax.broadcasted_iota(jnp.int32, (chunk, n), 0) + c
        sel = ranki == mk
        i_ref[0, 0, c : c + chunk] = jnp.sum(jnp.where(sel, col, 0), axis=1)
    base = pl.program_id(0) * n
    for c in range(0, num_unmask, chunk):
        uk = jax.lax.broadcasted_iota(jnp.int32, (chunk, n), 0) + num_mask + c
        sel = ranki == uk
        u_ref[0, 0, c : c + chunk] = jnp.sum(jnp.where(sel, col, 0), axis=1) + base


def _make_sc_encoder(b, n, e, num_mask):
    num_unmask = n - num_mask
    info = plsc.get_sparse_core_info()
    nc, ns = info.num_cores, info.num_subcores
    nw = nc * ns
    bpw = b // nw
    gchunk = 48
    fchunk = 48

    n_g = (num_unmask // gchunk) * bpw

    @functools.partial(
        pl.kernel,
        mesh=plsc.VectorSubcoreMesh(core_axis_name="c", subcore_axis_name="s"),
        out_type=jax.ShapeDtypeStruct((b * n, e), jnp.float32),
        scratch_types=[
            pltpu.VMEM((bpw * num_unmask,), jnp.int32),
            pltpu.VMEM((gchunk, e), jnp.float32),
            pltpu.VMEM((gchunk, e), jnp.float32),
            pltpu.VMEM((fchunk, e), jnp.float32),
            pltpu.VMEM((fchunk,), jnp.int32),
            pltpu.SemaphoreType.DMA,
            pltpu.SemaphoreType.DMA,
            pltpu.SemaphoreType.DMA,
        ],
    )
    def sc_encode(
        patches_hbm, uidx_hbm, mask_hbm, out_hbm,
        idx_v, rows_a, rows_b, fill_v, zidx_v, sem_a, sem_b, sem_f,
    ):
        wid = lax.axis_index("s") * nc + lax.axis_index("c")
        for c in range(0, fchunk, 16):
            zidx_v[pl.ds(c, 16)] = jnp.zeros((16,), jnp.int32)
        mcp = pltpu.async_copy(mask_hbm.at[zidx_v], fill_v, sem_f)
        pltpu.sync_copy(
            uidx_hbm.at[pl.ds(wid * bpw * num_unmask, bpw * num_unmask)], idx_v
        )
        mcp.wait()
        fills = []
        for bb in range(bpw):
            bat = wid * bpw + bb
            for c in range(0, num_mask, fchunk):
                fills.append(
                    pltpu.async_copy(
                        fill_v, out_hbm.at[pl.ds(bat * n + num_unmask + c, fchunk)], sem_f
                    )
                )
        bufs = (rows_a, rows_b)
        sems = (sem_a, sem_b)

        def out_off(g):
            bat = wid * bpw + g // (num_unmask // gchunk)
            return bat * n + (g % (num_unmask // gchunk)) * gchunk

        def start(g):
            return pltpu.async_copy(
                patches_hbm.at[idx_v.at[pl.ds(g * gchunk, gchunk)]],
                bufs[g % 2], sems[g % 2],
            )

        cps = [start(0), start(1)]
        for g in range(n_g):
            cps[g % 2].wait()
            pltpu.sync_copy(bufs[g % 2], out_hbm.at[pl.ds(out_off(g), gchunk)])
            if g + 2 < n_g:
                cps[g % 2] = start(g + 2)
        for f in fills:
            f.wait()

    return sc_encode


def kernel(patches, mask_token):
    b, n, e = patches.shape
    num_mask = -(-3 * n // 4)
    num_unmask = n - num_mask

    rkey = jax.random.key(42)
    rand_vals = jax.random.uniform(rkey, (b, n), dtype=jnp.float32)
    rand_lane = rand_vals.reshape(b, 1, n)
    rand_sub = rand_vals.reshape(b, n, 1)

    midx3, uidx3 = pl.pallas_call(
        functools.partial(_index_kernel, num_mask),
        grid=(b,),
        in_specs=[
            pl.BlockSpec((1, 1, n), lambda i: (i, 0, 0)),
            pl.BlockSpec((1, n, 1), lambda i: (i, 0, 0)),
        ],
        out_specs=[
            pl.BlockSpec((1, 1, num_mask), lambda i: (i, 0, 0)),
            pl.BlockSpec((1, 1, num_unmask), lambda i: (i, 0, 0)),
        ],
        out_shape=[
            jax.ShapeDtypeStruct((b, 1, num_mask), jnp.int32),
            jax.ShapeDtypeStruct((b, 1, num_unmask), jnp.int32),
        ],
    )(rand_lane, rand_sub)

    sc_encode = _make_sc_encoder(b, n, e, num_mask)
    out_flat = sc_encode(
        patches.reshape(b * n, e),
        uidx3.reshape(b * num_unmask),
        mask_token,
    )
    return out_flat.reshape(b, n, e), midx3.reshape(b, num_mask)

# --- scband reference (transcript-rebuilt; emitter-appended) ---
"""Pipeline reference for scband-mask-encoder-29033978921286 (READ-ONLY COPY).

The authoritative reference and input builder live on the scoring server;
editing this copy changes nothing except your own understanding.
"""

import jax, jax.numpy as jnp
import numpy as np

MASK_PROPORTION = 0.75


def setup_inputs(seed: int = 0) -> dict:
    key = jax.random.key(seed)
    k1, k2 = jax.random.split(key)
    patches = jax.random.normal(k1, (64, 576, 768), dtype=jnp.float32)
    # learned parameter: mask token, shape [1, embedding_size]
    mask_token = jax.random.normal(k2, (1, 768), dtype=jnp.float32)
    return {"patches": patches, "mask_token": mask_token}


def reference(patches, mask_token):
    batch_size, num_patches, patch_area = patches.shape
    num_mask = int(np.ceil(MASK_PROPORTION * num_patches))

    # get_random_indices: argsort of uniform noise per sample (fixed key for determinism)
    rkey = jax.random.key(42)
    rand_vals = jax.random.uniform(rkey, (batch_size, num_patches), dtype=jnp.float32)
    rand_indices = jnp.argsort(rand_vals, axis=-1)
    mask_indices = rand_indices[:, :num_mask]
    unmask_indices = rand_indices[:, num_mask:]

    # tf.repeat(mask_token, num_mask, axis=0) then repeat over batch
    mask_tokens = jnp.broadcast_to(mask_token, (num_mask, patch_area))
    mask_tokens = jnp.broadcast_to(mask_tokens[jnp.newaxis, ...], (batch_size, num_mask, patch_area))

    # tf.gather(patches, unmask_indices, axis=1, batch_dims=1)
    unmasked_embeds = jnp.take_along_axis(patches, unmask_indices[..., None], axis=1)

    encoder_input = jnp.concatenate([unmasked_embeds, mask_tokens], axis=1)
    return encoder_input, mask_indices

if __name__ == "__main__":
    import jax
    _d = setup_inputs()
    print(jax.jit(kernel)(*tuple(_d.values())))

</pallas_src>

<mosaic_0001>
#map = affine_map<(d0, d1) -> (0, 0)>
#map1 = affine_map<(d0, d1) -> (0)>
module attributes {stable_mosaic.version = 14 : i64} {
  func.func @sc_encode(%arg0: i32, %arg1: i32, %arg2: memref<36864x768xf32, #tpu.memory_space<hbm>>, %arg3: memref<9216xi32, #tpu.memory_space<hbm>>, %arg4: memref<1x768xf32, #tpu.memory_space<hbm>>, %arg5: memref<36864x768xf32, #tpu.memory_space<hbm>>, %arg6: memref<288xi32, #tpu.memory_space<vmem>>, %arg7: memref<48x768xf32, #tpu.memory_space<vmem>>, %arg8: memref<48x768xf32, #tpu.memory_space<vmem>>, %arg9: memref<48x768xf32, #tpu.memory_space<vmem>>, %arg10: memref<48xi32, #tpu.memory_space<vmem>>, %arg11: memref<!tpu.dma_semaphore, #tpu.memory_space<semaphore_mem>>, %arg12: memref<!tpu.dma_semaphore, #tpu.memory_space<semaphore_mem>>, %arg13: memref<!tpu.dma_semaphore, #tpu.memory_space<semaphore_mem>>) attributes {dimension_semantics = [#tpu.dimension_semantics<core_parallel>, #tpu.dimension_semantics<subcore_parallel>], iteration_bounds = array<i64: 2, 16>, scalar_prefetch = 0 : i64, scratch_operands = 8 : i64, tpu.core_type = #tpu.core_type<sc_vector_subcore>, window_params = [{transform_indices = #map}, {transform_indices = #map1}, {transform_indices = #map}, {transform_indices = #map}]} {
    %mul3A = arith.constant 2 : i32
    %mul3A_0 = arith.muli %arg1, %mul3A : i32
    %add3A = arith.addi %mul3A_0, %arg0 : i32
    %broadcast_in_dim3A = arith.constant 0 : i32
    %broadcast_in_dim3A_1 = vector.broadcast %broadcast_in_dim3A : i32 to vector<16xi32>
    %swap3A = arith.constant 0 : index
    %swap3A_2 = tpu.vector_load %arg10[%swap3A] {strides = array<i32>} : memref<48xi32, #tpu.memory_space<vmem>>, vector<16xi32>,
    %swap3A_3 = vector.shape_cast %swap3A_2 : vector<16xi32> to vector<16xi32>
    %swap3A_4 = vector.shape_cast %broadcast_in_dim3A_1 : vector<16xi32> to vector<16xi32>
    tpu.vector_store %arg10[%swap3A], %swap3A_4 {strides = array<i32>} : memref<48xi32, #tpu.memory_space<vmem>>, vector<16xi32>,
    %broadcast_in_dim3A_5 = arith.constant 0 : i32
    %broadcast_in_dim3A_6 = vector.broadcast %broadcast_in_dim3A_5 : i32 to vector<16xi32>
    %swap3A_7 = arith.constant 16 : index
    %swap3A_8 = tpu.vector_load %arg10[%swap3A_7] {strides = array<i32>} : memref<48xi32, #tpu.memory_space<vmem>>, vector<16xi32>,
    %swap3A_9 = vector.shape_cast %swap3A_8 : vector<16xi32> to vector<16xi32>
    %swap3A_10 = vector.shape_cast %broadcast_in_dim3A_6 : vector<16xi32> to vector<16xi32>
    tpu.vector_store %arg10[%swap3A_7], %swap3A_10 {strides = array<i32>} : memref<48xi32, #tpu.memory_space<vmem>>, vector<16xi32>,
    %broadcast_in_dim3A_11 = arith.constant 0 : i32
    %broadcast_in_dim3A_12 = vector.broadcast %broadcast_in_dim3A_11 : i32 to vector<16xi32>
    %swap3A_13 = arith.constant 32 : index
    %swap3A_14 = tpu.vector_load %arg10[%swap3A_13] {strides = array<i32>} : memref<48xi32, #tpu.memory_space<vmem>>, vector<16xi32>,
    %swap3A_15 = vector.shape_cast %swap3A_14 : vector<16xi32> to vector<16xi32>
    %swap3A_16 = vector.shape_cast %broadcast_in_dim3A_12 : vector<16xi32> to vector<16xi32>
    tpu.vector_store %arg10[%swap3A_13], %swap3A_16 {strides = array<i32>} : memref<48xi32, #tpu.memory_space<vmem>>, vector<16xi32>,
    %dma_start3A = arith.constant 0 : i32
    %dma_start3A_17 = arith.constant 0 : i32
    %dma_start3A_18 = tpu.memref_slice %arg4[%dma_start3A, %dma_start3A_17] : memref<1x768xf32, #tpu.memory_space<hbm>> -> memref<1x768xf32, #tpu.memory_space<hbm>>
    tpu.enqueue_indirect_dma source(%dma_start3A_18 : memref<1x768xf32, #tpu.memory_space<hbm>>) target(%arg9 : memref<48x768xf32, #tpu.memory_space<vmem>>) offsets(%arg10 : memref<48xi32, #tpu.memory_space<vmem>>) semaphore(%arg13 : memref<!tpu.dma_semaphore, #tpu.memory_space<semaphore_mem>>)
    %mul3A_19 = arith.constant 2 : i32
    %mul3A_20 = arith.muli %add3A, %mul3A_19 : i32
    %mul3A_21 = arith.constant 144 : i32
    %mul3A_22 = arith.muli %mul3A_20, %mul3A_21 : i32
    "tpu.region"() ({
      %run_scoped3A = tpu.sem_alloc : memref<!tpu.dma_semaphore, #tpu.memory_space<semaphore_mem>>
      %dma_start3A_393 = tpu.memref_slice %arg3[%mul3A_22] : memref<9216xi32, #tpu.memory_space<hbm>> -> memref<288xi32, #tpu.memory_space<hbm>>
      %dma_start3A_394 = tpu.memref_slice %arg3[%mul3A_22] : memref<9216xi32, #tpu.memory_space<hbm>> -> memref<288xi32, #tpu.memory_space<hbm>>
      tpu.enqueue_dma source(%dma_start3A_394 : memref<288xi32, #tpu.memory_space<hbm>>) target(%arg6 : memref<288xi32, #tpu.memory_space<vmem>>) target_semaphore(%run_scoped3A : memref<!tpu.dma_semaphore, #tpu.memory_space<semaphore_mem>>)
      %dma_wait3A_395 = tpu.memref_slice %arg3[%mul3A_22] : memref<9216xi32, #tpu.memory_space<hbm>> -> memref<288xi32, #tpu.memory_space<hbm>>
      %dma_wait3A_396 = tpu.memref_slice %arg3[%mul3A_22] : memref<9216xi32, #tpu.memory_space<hbm>> -> memref<288xi32, #tpu.memory_space<hbm>>
      tpu.wait_dma2 semaphore(%run_scoped3A : memref<!tpu.dma_semaphore, #tpu.memory_space<semaphore_mem>>) src(%dma_wait3A_396 : memref<288xi32, #tpu.memory_space<hbm>>) dst(%arg6 : memref<288xi32, #tpu.memory_space<vmem>>)
      tpu.yield
    }) : () -> ()
    %dma_wait3A = arith.constant 0 : i32
    %dma_wait3A_23 = arith.constant 0 : i32
    %dma_wait3A_24 = tpu.memref_slice %arg4[%dma_wait3A, %dma_wait3A_23] : memref<1x768xf32, #tpu.memory_space<hbm>> -> memref<1x768xf32, #tpu.memory_space<hbm>>
    tpu.wait_indirect_dma semaphore(%arg13 : memref<!tpu.dma_semaphore, #tpu.memory_space<semaphore_mem>>) src(%dma_wait3A_24 : memref<1x768xf32, #tpu.memory_space<hbm>>) dst(%arg9 : memref<48x768xf32, #tpu.memory_space<vmem>>)
    %mul3A_25 = arith.constant 2 : i32
    %mul3A_26 = arith.muli %add3A, %mul3A_25 : i32
    %add3A_27 = arith.constant 0 : i32
    %add3A_28 = arith.addi %mul3A_26, %add3A_27 : i32
    %mul3A_29 = arith.constant 576 : i32
    %mul3A_30 = arith.muli %add3A_28, %mul3A_29 : i32
    %add3A_31 = arith.constant 144 : i32
    %add3A_32 = arith.addi %mul3A_30, %add3A_31 : i32
    %add3A_33 = arith.constant 0 : i32
    %add3A_34 = arith.addi %add3A_32, %add3A_33 : i32
    %dma_start3A_35 = arith.constant 0 : i32
    %dma_start3A_36 = tpu.memref_slice %arg5[%add3A_34, %dma_start3A_35] : memref<36864x768xf32, #tpu.memory_space<hbm>> -> memref<48x768xf32, #tpu.memory_space<hbm>>
    %dma_start3A_37 = arith.constant 0 : i32
    %dma_start3A_38 = tpu.memref_slice %arg5[%add3A_34, %dma_start3A_37] : memref<36864x768xf32, #tpu.memory_space<hbm>> -> memref<48x768xf32, #tpu.memory_space<hbm>>
    tpu.enqueue_dma source(%arg9 : memref<48x768xf32, #tpu.memory_space<vmem>>) target(%dma_start3A_38 : memref<48x768xf32, #tpu.memory_space<hbm>>) target_semaphore(%arg13 : memref<!tpu.dma_semaphore, #tpu.memory_space<semaphore_mem>>)
    %mul3A_39 = arith.constant 576 : i32
    %mul3A_40 = arith.muli %add3A_28, %mul3A_39 : i32
    %add3A_41 = arith.constant 144 : i32
    %add3A_42 = arith.addi %mul3A_40, %add3A_41 : i32
    %add3A_43 = arith.constant 48 : i32
    %add3A_44 = arith.addi %add3A_42, %add3A_43 : i32
    %dma_start3A_45 = arith.constant 0 : i32
    %dma_start3A_46 = tpu.memref_slice %arg5[%add3A_44, %dma_start3A_45] : memref<36864x768xf32, #tpu.memory_space<hbm>> -> memref<48x768xf32, #tpu.memory_space<hbm>>
    %dma_start3A_47 = arith.constant 0 : i32
    %dma_start3A_48 = tpu.memref_slice %arg5[%add3A_44, %dma_start3A_47] : memref<36864x768xf32, #tpu.memory_space<hbm>> -> memref<48x768xf32, #tpu.memory_space<hbm>>
    tpu.enqueue_dma source(%arg9 : memref<48x768xf32, #tpu.memory_space<vmem>>) target(%dma_start3A_48 : memref<48x768xf32, #tpu.memory_space<hbm>>) target_semaphore(%arg13 : memref<!tpu.dma_semaphore, #tpu.memory_space<semaphore_mem>>)
    %mul3A_49 = arith.constant 576 : i32
    %mul3A_50 = arith.muli %add3A_28, %mul3A_49 : i32
    %add3A_51 = arith.constant 144 : i32
    %add3A_52 = arith.addi %mul3A_50, %add3A_51 : i32
    %add3A_53 = arith.constant 96 : i32
    %add3A_54 = arith.addi %add3A_52, %add3A_53 : i32
    %dma_start3A_55 = arith.constant 0 : i32
    %dma_start3A_56 = tpu.memref_slice %arg5[%add3A_54, %dma_start3A_55] : memref<36864x768xf32, #tpu.memory_space<hbm>> -> memref<48x768xf32, #tpu.memory_space<hbm>>
    %dma_start3A_57 = arith.constant 0 : i32
    %dma_start3A_58 = tpu.memref_slice %arg5[%add3A_54, %dma_start3A_57] : memref<36864x768xf32, #tpu.memory_space<hbm>> -> memref<48x768xf32, #tpu.memory_space<hbm>>
    tpu.enqueue_dma source(%arg9 : memref<48x768xf32, #tpu.memory_space<vmem>>) target(%dma_start3A_58 : memref<48x768xf32, #tpu.memory_space<hbm>>) target_semaphore(%arg13 : memref<!tpu.dma_semaphore, #tpu.memory_space<semaphore_mem>>)
    %mul3A_59 = arith.constant 576 : i32
    %mul3A_60 = arith.muli %add3A_28, %mul3A_59 : i32
    %add3A_61 = arith.constant 144 : i32
    %add3A_62 = arith.addi %mul3A_60, %add3A_61 : i32
    %add3A_63 = arith.constant 144 : i32
    %add3A_64 = arith.addi %add3A_62, %add3A_63 : i32
    %dma_start3A_65 = arith.constant 0 : i32
    %dma_start3A_66 = tpu.memref_slice %arg5[%add3A_64, %dma_start3A_65] : memref<36864x768xf32, #tpu.memory_space<hbm>> -> memref<48x768xf32, #tpu.memory_space<hbm>>
    %dma_start3A_67 = arith.constant 0 : i32
    %dma_start3A_68 = tpu.memref_slice %arg5[%add3A_64, %dma_start3A_67] : memref<36864x768xf32, #tpu.memory_space<hbm>> -> memref<48x768xf32, #tpu.memory_space<hbm>>
    tpu.enqueue_dma source(%arg9 : memref<48x768xf32, #tpu.memory_space<vmem>>) target(%dma_start3A_68 : memref<48x768xf32, #tpu.memory_space<hbm>>) target_semaphore(%arg13 : memref<!tpu.dma_semaphore, #tpu.memory_space<semaphore_mem>>)
    %mul3A_69 = arith.constant 576 : i32
    %mul3A_70 = arith.muli %add3A_28, %mul3A_69 : i32
    %add3A_71 = arith.constant 144 : i32
    %add3A_72 = arith.addi %mul3A_70, %add3A_71 : i32
    %add3A_73 = arith.constant 192 : i32
    %add3A_74 = arith.addi %add3A_72, %add3A_73 : i32
    %dma_start3A_75 = arith.constant 0 : i32
    %dma_start3A_76 = tpu.memref_slice %arg5[%add3A_74, %dma_start3A_75] : memref<36864x768xf32, #tpu.memory_space<hbm>> -> memref<48x768xf32, #tpu.memory_space<hbm>>
    %dma_start3A_77 = arith.constant 0 : i32
    %dma_start3A_78 = tpu.memref_slice %arg5[%add3A_74, %dma_start3A_77] : memref<36864x768xf32, #tpu.memory_space<hbm>> -> memref<48x768xf32, #tpu.memory_space<hbm>>
    tpu.enqueue_dma source(%arg9 : memref<48x768xf32, #tpu.memory_space<vmem>>) target(%dma_start3A_78 : memref<48x768xf32, #tpu.memory_space<hbm>>) target_semaphore(%arg13 : memref<!tpu.dma_semaphore, #tpu.memory_space<semaphore_mem>>)
    %mul3A_79 = arith.constant 576 : i32
    %mul3A_80 = arith.muli %add3A_28, %mul3A_79 : i32
    %add3A_81 = arith.constant 144 : i32
    %add3A_82 = arith.addi %mul3A_80, %add3A_81 : i32
    %add3A_83 = arith.constant 240 : i32
    %add3A_84 = arith.addi %add3A_82, %add3A_83 : i32
    %dma_start3A_85 = arith.constant 0 : i32
    %dma_start3A_86 = tpu.memref_slice %arg5[%add3A_84, %dma_start3A_85] : memref<36864x768xf32, #tpu.memory_space<hbm>> -> memref<48x768xf32, #tpu.memory_space<hbm>>
    %dma_start3A_87 = arith.constant 0 : i32
    %dma_start3A_88 = tpu.memref_slice %arg5[%add3A_84, %dma_start3A_87] : memref<36864x768xf32, #tpu.memory_space<hbm>> -> memref<48x768xf32, #tpu.memory_space<hbm>>
    tpu.enqueue_dma source(%arg9 : memref<48x768xf32, #tpu.memory_space<vmem>>) target(%dma_start3A_88 : memref<48x768xf32, #tpu.memory_space<hbm>>) target_semaphore(%arg13 : memref<!tpu.dma_semaphore, #tpu.memory_space<semaphore_mem>>)
    %mul3A_89 = arith.constant 576 : i32
    %mul3A_90 = arith.muli %add3A_28, %mul3A_89 : i32
    %add3A_91 = arith.constant 144 : i32
    %add3A_92 = arith.addi %mul3A_90, %add3A_91 : i32
    %add3A_93 = arith.constant 288 : i32
    %add3A_94 = arith.addi %add3A_92, %add3A_93 : i32
    %dma_start3A_95 = arith.constant 0 : i32
    %dma_start3A_96 = tpu.memref_slice %arg5[%add3A_94, %dma_start3A_95] : memref<36864x768xf32, #tpu.memory_space<hbm>> -> memref<48x768xf32, #tpu.memory_space<hbm>>
    %dma_start3A_97 = arith.constant 0 : i32
    %dma_start3A_98 = tpu.memref_slice %arg5[%add3A_94, %dma_start3A_97] : memref<36864x768xf32, #tpu.memory_space<hbm>> -> memref<48x768xf32, #tpu.memory_space<hbm>>
    tpu.enqueue_dma source(%arg9 : memref<48x768xf32, #tpu.memory_space<vmem>>) target(%dma_start3A_98 : memref<48x768xf32, #tpu.memory_space<hbm>>) target_semaphore(%arg13 : memref<!tpu.dma_semaphore, #tpu.memory_space<semaphore_mem>>)
    %mul3A_99 = arith.constant 576 : i32
    %mul3A_100 = arith.muli %add3A_28, %mul3A_99 : i32
    %add3A_101 = arith.constant 144 : i32
    %add3A_102 = arith.addi %mul3A_100, %add3A_101 : i32
    %add3A_103 = arith.constant 336 : i32
    %add3A_104 = arith.addi %add3A_102, %add3A_103 : i32
    %dma_start3A_105 = arith.constant 0 : i32
    %dma_start3A_106 = tpu.memref_slice %arg5[%add3A_104, %dma_start3A_105] : memref<36864x768xf32, #tpu.memory_space<hbm>> -> memref<48x768xf32, #tpu.memory_space<hbm>>
    %dma_start3A_107 = arith.constant 0 : i32
    %dma_start3A_108 = tpu.memref_slice %arg5[%add3A_104, %dma_start3A_107] : memref<36864x768xf32, #tpu.memory_space<hbm>> -> memref<48x768xf32, #tpu.memory_space<hbm>>
    tpu.enqueue_dma source(%arg9 : memref<48x768xf32, #tpu.memory_space<vmem>>) target(%dma_start3A_108 : memref<48x768xf32, #tpu.memory_space<hbm>>) target_semaphore(%arg13 : memref<!tpu.dma_semaphore, #tpu.memory_space<semaphore_mem>>)
    %mul3A_109 = arith.constant 576 : i32
    %mul3A_110 = arith.muli %add3A_28, %mul3A_109 : i32
    %add3A_111 = arith.constant 144 : i32
    %add3A_112 = arith.addi %mul3A_110, %add3A_111 : i32
    %add3A_113 = arith.constant 384 : i32
    %add3A_114 = arith.addi %add3A_112, %add3A_113 : i32
    %dma_start3A_115 = arith.constant 0 : i32
    %dma_start3A_116 = tpu.memref_slice %arg5[%add3A_114, %dma_start3A_115] : memref<36864x768xf32, #tpu.memory_space<hbm>> -> memref<48x768xf32, #tpu.memory_space<hbm>>
    %dma_start3A_117 = arith.constant 0 : i32
    %dma_start3A_118 = tpu.memref_slice %arg5[%add3A_114, %dma_start3A_117] : memref<36864x768xf32, #tpu.memory_space<hbm>> -> memref<48x768xf32, #tpu.memory_space<hbm>>
    tpu.enqueue_dma source(%arg9 : memref<48x768xf32, #tpu.memory_space<vmem>>) target(%dma_start3A_118 : memref<48x768xf32, #tpu.memory_space<hbm>>) target_semaphore(%arg13 : memref<!tpu.dma_semaphore, #tpu.memory_space<semaphore_mem>>)
    %mul3A_119 = arith.constant 2 : i32
    %mul3A_120 = arith.muli %add3A, %mul3A_119 : i32
    %add3A_121 = arith.constant 1 : i32
    %add3A_122 = arith.addi %mul3A_120, %add3A_121 : i32
    %mul3A_123 = arith.constant 576 : i32
    %mul3A_124 = arith.muli %add3A_122, %mul3A_123 : i32
    %add3A_125 = arith.constant 144 : i32
    %add3A_126 = arith.addi %mul3A_124, %add3A_125 : i32
    %add3A_127 = arith.constant 0 : i32
    %add3A_128 = arith.addi %add3A_126, %add3A_127 : i32
    %dma_start3A_129 = arith.constant 0 : i32
    %dma_start3A_130 = tpu.memref_slice %arg5[%add3A_128, %dma_start3A_129] : memref<36864x768xf32, #tpu.memory_space<hbm>> -> memref<48x768xf32, #tpu.memory_space<hbm>>
    %dma_start3A_131 = arith.constant 0 : i32
    %dma_start3A_132 = tpu.memref_slice %arg5[%add3A_128, %dma_start3A_131] : memref<36864x768xf32, #tpu.memory_space<hbm>> -> memref<48x768xf32, #tpu.memory_space<hbm>>
    tpu.enqueue_dma source(%arg9 : memref<48x768xf32, #tpu.memory_space<vmem>>) target(%dma_start3A_132 : memref<48x768xf32, #tpu.memory_space<hbm>>) target_semaphore(%arg13 : memref<!tpu.dma_semaphore, #tpu.memory_space<semaphore_mem>>)
    %mul3A_133 = arith.constant 576 : i32
    %mul3A_134 = arith.muli %add3A_122, %mul3A_133 : i32
    %add3A_135 = arith.constant 144 : i32
    %add3A_136 = arith.addi %mul3A_134, %add3A_135 : i32
    %add3A_137 = arith.constant 48 : i32
    %add3A_138 = arith.addi %add3A_136, %add3A_137 : i32
    %dma_start3A_139 = arith.constant 0 : i32
    %dma_start3A_140 = tpu.memref_slice %arg5[%add3A_138, %dma_start3A_139] : memref<36864x768xf32, #tpu.memory_space<hbm>> -> memref<48x768xf32, #tpu.memory_space<hbm>>
    %dma_start3A_141 = arith.constant 0 : i32
    %dma_start3A_142 = tpu.memref_slice %arg5[%add3A_138, %dma_start3A_141] : memref<36864x768xf32, #tpu.memory_space<hbm>> -> memref<48x768xf32, #tpu.memory_space<hbm>>
    tpu.enqueue_dma source(%arg9 : memref<48x768xf32, #tpu.memory_space<vmem>>) target(%dma_start3A_142 : memref<48x768xf32, #tpu.memory_space<hbm>>) target_semaphore(%arg13 : memref<!tpu.dma_semaphore, #tpu.memory_space<semaphore_mem>>)
    %mul3A_143 = arith.constant 576 : i32
    %mul3A_144 = arith.muli %add3A_122, %mul3A_143 : i32
    %add3A_145 = arith.constant 144 : i32
    %add3A_146 = arith.addi %mul3A_144, %add3A_145 : i32
    %add3A_147 = arith.constant 96 : i32
    %add3A_148 = arith.addi %add3A_146, %add3A_147 : i32
    %dma_start3A_149 = arith.constant 0 : i32
    %dma_start3A_150 = tpu.memref_slice %arg5[%add3A_148, %dma_start3A_149] : memref<36864x768xf32, #tpu.memory_space<hbm>> -> memref<48x768xf32, #tpu.memory_space<hbm>>
    %dma_start3A_151 = arith.constant 0 : i32
    %dma_start3A_152 = tpu.memref_slice %arg5[%add3A_148, %dma_start3A_151] : memref<36864x768xf32, #tpu.memory_space<hbm>> -> memref<48x768xf32, #tpu.memory_space<hbm>>
    tpu.enqueue_dma source(%arg9 : memref<48x768xf32, #tpu.memory_space<vmem>>) target(%dma_start3A_152 : memref<48x768xf32, #tpu.memory_space<hbm>>) target_semaphore(%arg13 : memref<!tpu.dma_semaphore, #tpu.memory_space<semaphore_mem>>)
    %mul3A_153 = arith.constant 576 : i32
    %mul3A_154 = arith.muli %add3A_122, %mul3A_153 : i32
    %add3A_155 = arith.constant 144 : i32
    %add3A_156 = arith.addi %mul3A_154, %add3A_155 : i32
    %add3A_157 = arith.constant 144 : i32
    %add3A_158 = arith.addi %add3A_156, %add3A_157 : i32
    %dma_start3A_159 = arith.constant 0 : i32
    %dma_start3A_160 = tpu.memref_slice %arg5[%add3A_158, %dma_start3A_159] : memref<36864x768xf32, #tpu.memory_space<hbm>> -> memref<48x768xf32, #tpu.memory_space<hbm>>
    %dma_start3A_161 = arith.constant 0 : i32
    %dma_start3A_162 = tpu.memref_slice %arg5[%add3A_158, %dma_start3A_161] : memref<36864x768xf32, #tpu.memory_space<hbm>> -> memref<48x768xf32, #tpu.memory_space<hbm>>
    tpu.enqueue_dma source(%arg9 : memref<48x768xf32, #tpu.memory_space<vmem>>) target(%dma_start3A_162 : memref<48x768xf32, #tpu.memory_space<hbm>>) target_semaphore(%arg13 : memref<!tpu.dma_semaphore, #tpu.memory_space<semaphore_mem>>)
    %mul3A_163 = arith.constant 576 : i32
    %mul3A_164 = arith.muli %add3A_122, %mul3A_163 : i32
    %add3A_165 = arith.constant 144 : i32
    %add3A_166 = arith.addi %mul3A_164, %add3A_165 : i32
    %add3A_167 = arith.constant 192 : i32
    %add3A_168 = arith.addi %add3A_166, %add3A_167 : i32
    %dma_start3A_169 = arith.constant 0 : i32
    %dma_start3A_170 = tpu.memref_slice %arg5[%add3A_168, %dma_start3A_169] : memref<36864x768xf32, #tpu.memory_space<hbm>> -> memref<48x768xf32, #tpu.memory_space<hbm>>
    %dma_start3A_171 = arith.constant 0 : i32
    %dma_start3A_172 = tpu.memref_slice %arg5[%add3A_168, %dma_start3A_171] : memref<36864x768xf32, #tpu.memory_space<hbm>> -> memref<48x768xf32, #tpu.memory_space<hbm>>
    tpu.enqueue_dma source(%arg9 : memref<48x768xf32, #tpu.memory_space<vmem>>) target(%dma_start3A_172 : memref<48x768xf32, #tpu.memory_space<hbm>>) target_semaphore(%arg13 : memref<!tpu.dma_semaphore, #tpu.memory_space<semaphore_mem>>)
    %mul3A_173 = arith.constant 576 : i32
    %mul3A_174 = arith.muli %add3A_122, %mul3A_173 : i32
    %add3A_175 = arith.constant 144 : i32
    %add3A_176 = arith.addi %mul3A_174, %add3A_175 : i32
    %add3A_177 = arith.constant 240 : i32
    %add3A_178 = arith.addi %add3A_176, %add3A_177 : i32
    %dma_start3A_179 = arith.constant 0 : i32
    %dma_start3A_180 = tpu.memref_slice %arg5[%add3A_178, %dma_start3A_179] : memref<36864x768xf32, #tpu.memory_space<hbm>> -> memref<48x768xf32, #tpu.memory_space<hbm>>
    %dma_start3A_181 = arith.constant 0 : i32
    %dma_start3A_182 = tpu.memref_slice %arg5[%add3A_178, %dma_start3A_181] : memref<36864x768xf32, #tpu.memory_space<hbm>> -> memref<48x768xf32, #tpu.memory_space<hbm>>
    tpu.enqueue_dma source(%arg9 : memref<48x768xf32, #tpu.memory_space<vmem>>) target(%dma_start3A_182 : memref<48x768xf32, #tpu.memory_space<hbm>>) target_semaphore(%arg13 : memref<!tpu.dma_semaphore, #tpu.memory_space<semaphore_mem>>)
    %mul3A_183 = arith.constant 576 : i32
    %mul3A_184 = arith.muli %add3A_122, %mul3A_183 : i32
    %add3A_185 = arith.constant 144 : i32
    %add3A_186 = arith.addi %mul3A_184, %add3A_185 : i32
    %add3A_187 = arith.constant 288 : i32
    %add3A_188 = arith.addi %add3A_186, %add3A_187 : i32
    %dma_start3A_189 = arith.constant 0 : i32
    %dma_start3A_190 = tpu.memref_slice %arg5[%add3A_188, %dma_start3A_189] : memref<36864x768xf32, #tpu.memory_space<hbm>> -> memref<48x768xf32, #tpu.memory_space<hbm>>
    %dma_start3A_191 = arith.constant 0 : i32
    %dma_start3A_192 = tpu.memref_slice %arg5[%add3A_188, %dma_start3A_191] : memref<36864x768xf32, #tpu.memory_space<hbm>> -> memref<48x768xf32, #tpu.memory_space<hbm>>
    tpu.enqueue_dma source(%arg9 : memref<48x768xf32, #tpu.memory_space<vmem>>) target(%dma_start3A_192 : memref<48x768xf32, #tpu.memory_space<hbm>>) target_semaphore(%arg13 : memref<!tpu.dma_semaphore, #tpu.memory_space<semaphore_mem>>)
    %mul3A_193 = arith.constant 576 : i32
    %mul3A_194 = arith.muli %add3A_122, %mul3A_193 : i32
    %add3A_195 = arith.constant 144 : i32
    %add3A_196 = arith.addi %mul3A_194, %add3A_195 : i32
    %add3A_197 = arith.constant 336 : i32
    %add3A_198 = arith.addi %add3A_196, %add3A_197 : i32
    %dma_start3A_199 = arith.constant 0 : i32
    %dma_start3A_200 = tpu.memref_slice %arg5[%add3A_198, %dma_start3A_199] : memref<36864x768xf32, #tpu.memory_space<hbm>> -> memref<48x768xf32, #tpu.memory_space<hbm>>
    %dma_start3A_201 = arith.constant 0 : i32
    %dma_start3A_202 = tpu.memref_slice %arg5[%add3A_198, %dma_start3A_201] : memref<36864x768xf32, #tpu.memory_space<hbm>> -> memref<48x768xf32, #tpu.memory_space<hbm>>
    tpu.enqueue_dma source(%arg9 : memref<48x768xf32, #tpu.memory_space<vmem>>) target(%dma_start3A_202 : memref<48x768xf32, #tpu.memory_space<hbm>>) target_semaphore(%arg13 : memref<!tpu.dma_semaphore, #tpu.memory_space<semaphore_mem>>)
    %mul3A_203 = arith.constant 576 : i32
    %mul3A_204 = arith.muli %add3A_122, %mul3A_203 : i32
    %add3A_205 = arith.constant 144 : i32
    %add3A_206 = arith.addi %mul3A_204, %add3A_205 : i32
    %add3A_207 = arith.constant 384 : i32
    %add3A_208 = arith.addi %add3A_206, %add3A_207 : i32
    %dma_start3A_209 = arith.constant 0 : i32
    %dma_start3A_210 = tpu.memref_slice %arg5[%add3A_208, %dma_start3A_209] : memref<36864x768xf32, #tpu.memory_space<hbm>> -> memref<48x768xf32, #tpu.memory_space<hbm>>
    %dma_start3A_211 = arith.constant 0 : i32
    %dma_start3A_212 = tpu.memref_slice %arg5[%add3A_208, %dma_start3A_211] : memref<36864x768xf32, #tpu.memory_space<hbm>> -> memref<48x768xf32, #tpu.memory_space<hbm>>
    tpu.enqueue_dma source(%arg9 : memref<48x768xf32, #tpu.memory_space<vmem>>) target(%dma_start3A_212 : memref<48x768xf32, #tpu.memory_space<hbm>>) target_semaphore(%arg13 : memref<!tpu.dma_semaphore, #tpu.memory_space<semaphore_mem>>)
    %dma_start3A_213 = arith.constant 0 : i32
    %dma_start3A_214 = tpu.memref_slice %arg6[%dma_start3A_213] : memref<288xi32, #tpu.memory_space<vmem>> -> memref<48xi32, #tpu.memory_space<vmem>>
    %dma_start3A_215 = arith.constant 0 : i32
    %dma_start3A_216 = arith.constant 0 : i32
    %dma_start3A_217 = tpu.memref_slice %arg2[%dma_start3A_215, %dma_start3A_216] : memref<36864x768xf32, #tpu.memory_space<hbm>> -> memref<36864x768xf32, #tpu.memory_space<hbm>>
    tpu.enqueue_indirect_dma source(%dma_start3A_217 : memref<36864x768xf32, #tpu.memory_space<hbm>>) target(%arg7 : memref<48x768xf32, #tpu.memory_space<vmem>>) offsets(%dma_start3A_214 : memref<48xi32, #tpu.memory_space<vmem>>) semaphore(%arg11 : memref<!tpu.dma_semaphore, #tpu.memory_space<semaphore_mem>>)
    %dma_start3A_218 = arith.constant 48 : i32
    %dma_start3A_219 = tpu.memref_slice %arg6[%dma_start3A_218] : memref<288xi32, #tpu.memory_space<vmem>> -> memref<48xi32, #tpu.memory_space<vmem>>
    %dma_start3A_220 = arith.constant 0 : i32
    %dma_start3A_221 = arith.constant 0 : i32
    %dma_start3A_222 = tpu.memref_slice %arg2[%dma_start3A_220, %dma_start3A_221] : memref<36864x768xf32, #tpu.memory_space<hbm>> -> memref<36864x768xf32, #tpu.memory_space<hbm>>
    tpu.enqueue_indirect_dma source(%dma_start3A_222 : memref<36864x768xf32, #tpu.memory_space<hbm>>) target(%arg8 : memref<48x768xf32, #tpu.memory_space<vmem>>) offsets(%dma_start3A_219 : memref<48xi32, #tpu.memory_space<vmem>>) semaphore(%arg12 : memref<!tpu.dma_semaphore, #tpu.memory_space<semaphore_mem>>)
    %dma_wait3A_223 = arith.constant 0 : i32
    %dma_wait3A_224 = tpu.memref_slice %arg6[%dma_wait3A_223] : memref<288xi32, #tpu.memory_space<vmem>> -> memref<48xi32, #tpu.memory_space<vmem>>
    %dma_wait3A_225 = arith.constant 0 : i32
    %dma_wait3A_226 = arith.constant 0 : i32
    %dma_wait3A_227 = tpu.memref_slice %arg2[%dma_wait3A_225, %dma_wait3A_226] : memref<36864x768xf32, #tpu.memory_space<hbm>> -> memref<36864x768xf32, #tpu.memory_space<hbm>>
    tpu.wait_indirect_dma semaphore(%arg11 : memref<!tpu.dma_semaphore, #tpu.memory_space<semaphore_mem>>) src(%dma_wait3A_227 : memref<36864x768xf32, #tpu.memory_space<hbm>>) dst(%arg7 : memref<48x768xf32, #tpu.memory_space<vmem>>)
    %mul3A_228 = arith.constant 2 : i32
    %mul3A_229 = arith.muli %add3A, %mul3A_228 : i32
    %add3A_230 = arith.constant 0 : i32
    %add3A_231 = arith.addi %mul3A_229, %add3A_230 : i32
    %mul3A_232 = arith.constant 576 : i32
    %mul3A_233 = arith.muli %add3A_231, %mul3A_232 : i32
    %add3A_234 = arith.constant 0 : i32
    %add3A_235 = arith.addi %mul3A_233, %add3A_234 : i32
    "tpu.region"() ({
      %run_scoped3A = tpu.sem_alloc : memref<!tpu.dma_semaphore, #tpu.memory_space<semaphore_mem>>
      %dma_start3A_393 = arith.constant 0 : i32
      %dma_start3A_394 = tpu.memref_slice %arg5[%add3A_235, %dma_start3A_393] : memref<36864x768xf32, #tpu.memory_space<hbm>> -> memref<48x768xf32, #tpu.memory_space<hbm>>
      %dma_start3A_395 = arith.constant 0 : i32
      %dma_start3A_396 = tpu.memref_slice %arg5[%add3A_235, %dma_start3A_395] : memref<36864x768xf32, #tpu.memory_space<hbm>> -> memref<48x768xf32, #tpu.memory_space<hbm>>
      tpu.enqueue_dma source(%arg7 : memref<48x768xf32, #tpu.memory_space<vmem>>) target(%dma_start3A_396 : memref<48x768xf32, #tpu.memory_space<hbm>>) target_semaphore(%run_scoped3A : memref<!tpu.dma_semaphore, #tpu.memory_space<semaphore_mem>>)
      %dma_wait3A_397 = arith.constant 0 : i32
      %dma_wait3A_398 = tpu.memref_slice %arg5[%add3A_235, %dma_wait3A_397] : memref<36864x768xf32, #tpu.memory_space<hbm>> -> memref<48x768xf32, #tpu.memory_space<hbm>>
      %dma_wait3A_399 = arith.constant 0 : i32
      %dma_wait3A_400 = tpu.memref_slice %arg5[%add3A_235, %dma_wait3A_399] : memref<36864x768xf32, #tpu.memory_space<hbm>> -> memref<48x768xf32, #tpu.memory_space<hbm>>
      tpu.wait_dma2 semaphore(%run_scoped3A : memref<!tpu.dma_semaphore, #tpu.memory_space<semaphore_mem>>) src(%arg7 : memref<48x768xf32, #tpu.memory_space<vmem>>) dst(%dma_wait3A_400 : memref<48x768xf32, #tpu.memory_space<hbm>>)
      tpu.yield
    }) : () -> ()
    %dma_start3A_236 = arith.constant 96 : i32
    %dma_start3A_237 = tpu.memref_slice %arg6[%dma_start3A_236] : memref<288xi32, #tpu.memory_space<vmem>> -> memref<48xi32, #tpu.memory_space<vmem>>
    %dma_start3A_238 = arith.constant 0 : i32
    %dma_start3A_239 = arith.constant 0 : i32
    %dma_start3A_240 = tpu.memref_slice %arg2[%dma_start3A_238, %dma_start3A_239] : memref<36864x768xf32, #tpu.memory_space<hbm>> -> memref<36864x768xf32, #tpu.memory_space<hbm>>
    tpu.enqueue_indirect_dma source(%dma_start3A_240 : memref<36864x768xf32, #tpu.memory_space<hbm>>) target(%arg7 : memref<48x768xf32, #tpu.memory_space<vmem>>) offsets(%dma_start3A_237 : memref<48xi32, #tpu.memory_space<vmem>>) semaphore(%arg11 : memref<!tpu.dma_semaphore, #tpu.memory_space<semaphore_mem>>)
    %dma_wait3A_241 = arith.constant 48 : i32
    %dma_wait3A_242 = tpu.memref_slice %arg6[%dma_wait3A_241] : memref<288xi32, #tpu.memory_space<vmem>> -> memref<48xi32, #tpu.memory_space<vmem>>
    %dma_wait3A_243 = arith.constant 0 : i32
    %dma_wait3A_244 = arith.constant 0 : i32
    %dma_wait3A_245 = tpu.memref_slice %arg2[%dma_wait3A_243, %dma_wait3A_244] : memref<36864x768xf32, #tpu.memory_space<hbm>> -> memref<36864x768xf32, #tpu.memory_space<hbm>>
    tpu.wait_indirect_dma semaphore(%arg12 : memref<!tpu.dma_semaphore, #tpu.memory_space<semaphore_mem>>) src(%dma_wait3A_245 : memref<36864x768xf32, #tpu.memory_space<hbm>>) dst(%arg8 : memref<48x768xf32, #tpu.memory_space<vmem>>)
    %mul3A_246 = arith.constant 2 : i32
    %mul3A_247 = arith.muli %add3A, %mul3A_246 : i32
    %add3A_248 = arith.constant 0 : i32
    %add3A_249 = arith.addi %mul3A_247, %add3A_248 : i32
    %mul3A_250 = arith.constant 576 : i32
    %mul3A_251 = arith.muli %add3A_249, %mul3A_250 : i32
    %add3A_252 = arith.constant 48 : i32
    %add3A_253 = arith.addi %mul3A_251, %add3A_252 : i32
    "tpu.region"() ({
      %run_scoped3A = tpu.sem_alloc : memref<!tpu.dma_semaphore, #tpu.memory_space<semaphore_mem>>
      %dma_start3A_393 = arith.constant 0 : i32
      %dma_start3A_394 = tpu.memref_slice %arg5[%add3A_253, %dma_start3A_393] : memref<36864x768xf32, #tpu.memory_space<hbm>> -> memref<48x768xf32, #tpu.memory_space<hbm>>
      %dma_start3A_395 = arith.constant 0 : i32
      %dma_start3A_396 = tpu.memref_slice %arg5[%add3A_253, %dma_start3A_395] : memref<36864x768xf32, #tpu.memory_space<hbm>> -> memref<48x768xf32, #tpu.memory_space<hbm>>
      tpu.enqueue_dma source(%arg8 : memref<48x768xf32, #tpu.memory_space<vmem>>) target(%dma_start3A_396 : memref<48x768xf32, #tpu.memory_space<hbm>>) target_semaphore(%run_scoped3A : memref<!tpu.dma_semaphore, #tpu.memory_space<semaphore_mem>>)
      %dma_wait3A_397 = arith.constant 0 : i32
      %dma_wait3A_398 = tpu.memref_slice %arg5[%add3A_253, %dma_wait3A_397] : memref<36864x768xf32, #tpu.memory_space<hbm>> -> memref<48x768xf32, #tpu.memory_space<hbm>>
      %dma_wait3A_399 = arith.constant 0 : i32
      %dma_wait3A_400 = tpu.memref_slice %arg5[%add3A_253, %dma_wait3A_399] : memref<36864x768xf32, #tpu.memory_space<hbm>> -> memref<48x768xf32, #tpu.memory_space<hbm>>
      tpu.wait_dma2 semaphore(%run_scoped3A : memref<!tpu.dma_semaphore, #tpu.memory_space<semaphore_mem>>) src(%arg8 : memref<48x768xf32, #tpu.memory_space<vmem>>) dst(%dma_wait3A_400 : memref<48x768xf32, #tpu.memory_space<hbm>>)
      tpu.yield
    }) : () -> ()
    %dma_start3A_254 = arith.constant 144 : i32
    %dma_start3A_255 = tpu.memref_slice %arg6[%dma_start3A_254] : memref<288xi32, #tpu.memory_space<vmem>> -> memref<48xi32, #tpu.memory_space<vmem>>
    %dma_start3A_256 = arith.constant 0 : i32
    %dma_start3A_257 = arith.constant 0 : i32
    %dma_start3A_258 = tpu.memref_slice %arg2[%dma_start3A_256, %dma_start3A_257] : memref<36864x768xf32, #tpu.memory_space<hbm>> -> memref<36864x768xf32, #tpu.memory_space<hbm>>
    tpu.enqueue_indirect_dma source(%dma_start3A_258 : memref<36864x768xf32, #tpu.memory_space<hbm>>) target(%arg8 : memref<48x768xf32, #tpu.memory_space<vmem>>) offsets(%dma_start3A_255 : memref<48xi32, #tpu.memory_space<vmem>>) semaphore(%arg12 : memref<!tpu.dma_semaphore, #tpu.memory_space<semaphore_mem>>)
    %dma_wait3A_259 = arith.constant 96 : i32
    %dma_wait3A_260 = tpu.memref_slice %arg6[%dma_wait3A_259] : memref<288xi32, #tpu.memory_space<vmem>> -> memref<48xi32, #tpu.memory_space<vmem>>
    %dma_wait3A_261 = arith.constant 0 : i32
    %dma_wait3A_262 = arith.constant 0 : i32
    %dma_wait3A_263 = tpu.memref_slice %arg2[%dma_wait3A_261, %dma_wait3A_262] : memref<36864x768xf32, #tpu.memory_space<hbm>> -> memref<36864x768xf32, #tpu.memory_space<hbm>>
    tpu.wait_indirect_dma semaphore(%arg11 : memref<!tpu.dma_semaphore, #tpu.memory_space<semaphore_mem>>) src(%dma_wait3A_263 : memref<36864x768xf32, #tpu.memory_space<hbm>>) dst(%arg7 : memref<48x768xf32, #tpu.memory_space<vmem>>)
    %mul3A_264 = arith.constant 2 : i32
    %mul3A_265 = arith.muli %add3A, %mul3A_264 : i32
    %add3A_266 = arith.constant 0 : i32
    %add3A_267 = arith.addi %mul3A_265, %add3A_266 : i32
    %mul3A_268 = arith.constant 576 : i32
    %mul3A_269 = arith.muli %add3A_267, %mul3A_268 : i32
    %add3A_270 = arith.constant 96 : i32
    %add3A_271 = arith.addi %mul3A_269, %add3A_270 : i32
    "tpu.region"() ({
      %run_scoped3A = tpu.sem_alloc : memref<!tpu.dma_semaphore, #tpu.memory_space<semaphore_mem>>
      %dma_start3A_393 = arith.constant 0 : i32
      %dma_start3A_394 = tpu.memref_slice %arg5[%add3A_271, %dma_start3A_393] : memref<36864x768xf32, #tpu.memory_space<hbm>> -> memref<48x768xf32, #tpu.memory_space<hbm>>
      %dma_start3A_395 = arith.constant 0 : i32
      %dma_start3A_396 = tpu.memref_slice %arg5[%add3A_271, %dma_start3A_395] : memref<36864x768xf32, #tpu.memory_space<hbm>> -> memref<48x768xf32, #tpu.memory_space<hbm>>
      tpu.enqueue_dma source(%arg7 : memref<48x768xf32, #tpu.memory_space<vmem>>) target(%dma_start3A_396 : memref<48x768xf32, #tpu.memory_space<hbm>>) target_semaphore(%run_scoped3A : memref<!tpu.dma_semaphore, #tpu.memory_space<semaphore_mem>>)
      %dma_wait3A_397 = arith.constant 0 : i32
      %dma_wait3A_398 = tpu.memref_slice %arg5[%add3A_271, %dma_wait3A_397] : memref<36864x768xf32, #tpu.memory_space<hbm>> -> memref<48x768xf32, #tpu.memory_space<hbm>>
      %dma_wait3A_399 = arith.constant 0 : i32
      %dma_wait3A_400 = tpu.memref_slice %arg5[%add3A_271, %dma_wait3A_399] : memref<36864x768xf32, #tpu.memory_space<hbm>> -> memref<48x768xf32, #tpu.memory_space<hbm>>
      tpu.wait_dma2 semaphore(%run_scoped3A : memref<!tpu.dma_semaphore, #tpu.memory_space<semaphore_mem>>) src(%arg7 : memref<48x768xf32, #tpu.memory_space<vmem>>) dst(%dma_wait3A_400 : memref<48x768xf32, #tpu.memory_space<hbm>>)
      tpu.yield
    }) : () -> ()
    %dma_start3A_272 = arith.constant 192 : i32
    %dma_start3A_273 = tpu.memref_slice %arg6[%dma_start3A_272] : memref<288xi32, #tpu.memory_space<vmem>> -> memref<48xi32, #tpu.memory_space<vmem>>
    %dma_start3A_274 = arith.constant 0 : i32
    %dma_start3A_275 = arith.constant 0 : i32
    %dma_start3A_276 = tpu.memref_slice %arg2[%dma_start3A_274, %dma_start3A_275] : memref<36864x768xf32, #tpu.memory_space<hbm>> -> memref<36864x768xf32, #tpu.memory_space<hbm>>
    tpu.enqueue_indirect_dma source(%dma_start3A_276 : memref<36864x768xf32, #tpu.memory_space<hbm>>) target(%arg7 : memref<48x768xf32, #tpu.memory_space<vmem>>) offsets(%dma_start3A_273 : memref<48xi32, #tpu.memory_space<vmem>>) semaphore(%arg11 : memref<!tpu.dma_semaphore, #tpu.memory_space<semaphore_mem>>)
    %dma_wait3A_277 = arith.constant 144 : i32
    %dma_wait3A_278 = tpu.memref_slice %arg6[%dma_wait3A_277] : memref<288xi32, #tpu.memory_space<vmem>> -> memref<48xi32, #tpu.memory_space<vmem>>
    %dma_wait3A_279 = arith.constant 0 : i32
    %dma_wait3A_280 = arith.constant 0 : i32
    %dma_wait3A_281 = tpu.memref_slice %arg2[%dma_wait3A_279, %dma_wait3A_280] : memref<36864x768xf32, #tpu.memory_space<hbm>> -> memref<36864x768xf32, #tpu.memory_space<hbm>>
    tpu.wait_indirect_dma semaphore(%arg12 : memref<!tpu.dma_semaphore, #tpu.memory_space<semaphore_mem>>) src(%dma_wait3A_281 : memref<36864x768xf32, #tpu.memory_space<hbm>>) dst(%arg8 : memref<48x768xf32, #tpu.memory_space<vmem>>)
    %mul3A_282 = arith.constant 2 : i32
    %mul3A_283 = arith.muli %add3A, %mul3A_282 : i32
    %add3A_284 = arith.constant 1 : i32
    %add3A_285 = arith.addi %mul3A_283, %add3A_284 : i32
    %mul3A_286 = arith.constant 576 : i32
    %mul3A_287 = arith.muli %add3A_285, %mul3A_286 : i32
    %add3A_288 = arith.constant 0 : i32
    %add3A_289 = arith.addi %mul3A_287, %add3A_288 : i32
    "tpu.region"() ({
      %run_scoped3A = tpu.sem_alloc : memref<!tpu.dma_semaphore, #tpu.memory_space<semaphore_mem>>
      %dma_start3A_393 = arith.constant 0 : i32
      %dma_start3A_394 = tpu.memref_slice %arg5[%add3A_289, %dma_start3A_393] : memref<36864x768xf32, #tpu.memory_space<hbm>> -> memref<48x768xf32, #tpu.memory_space<hbm>>
      %dma_start3A_395 = arith.constant 0 : i32
      %dma_start3A_396 = tpu.memref_slice %arg5[%add3A_289, %dma_start3A_395] : memref<36864x768xf32, #tpu.memory_space<hbm>> -> memref<48x768xf32, #tpu.memory_space<hbm>>
      tpu.enqueue_dma source(%arg8 : memref<48x768xf32, #tpu.memory_space<vmem>>) target(%dma_start3A_396 : memref<48x768xf32, #tpu.memory_space<hbm>>) target_semaphore(%run_scoped3A : memref<!tpu.dma_semaphore, #tpu.memory_space<semaphore_mem>>)
      %dma_wait3A_397 = arith.constant 0 : i32
      %dma_wait3A_398 = tpu.memref_slice %arg5[%add3A_289, %dma_wait3A_397] : memref<36864x768xf32, #tpu.memory_space<hbm>> -> memref<48x768xf32, #tpu.memory_space<hbm>>
      %dma_wait3A_399 = arith.constant 0 : i32
      %dma_wait3A_400 = tpu.memref_slice %arg5[%add3A_289, %dma_wait3A_399] : memref<36864x768xf32, #tpu.memory_space<hbm>> -> memref<48x768xf32, #tpu.memory_space<hbm>>
      tpu.wait_dma2 semaphore(%run_scoped3A : memref<!tpu.dma_semaphore, #tpu.memory_space<semaphore_mem>>) src(%arg8 : memref<48x768xf32, #tpu.memory_space<vmem>>) dst(%dma_wait3A_400 : memref<48x768xf32, #tpu.memory_space<hbm>>)
      tpu.yield
    }) : () -> ()
    %dma_start3A_290 = arith.constant 240 : i32
    %dma_start3A_291 = tpu.memref_slice %arg6[%dma_start3A_290] : memref<288xi32, #tpu.memory_space<vmem>> -> memref<48xi32, #tpu.memory_space<vmem>>
    %dma_start3A_292 = arith.constant 0 : i32
    %dma_start3A_293 = arith.constant 0 : i32
    %dma_start3A_294 = tpu.memref_slice %arg2[%dma_start3A_292, %dma_start3A_293] : memref<36864x768xf32, #tpu.memory_space<hbm>> -> memref<36864x768xf32, #tpu.memory_space<hbm>>
    tpu.enqueue_indirect_dma source(%dma_start3A_294 : memref<36864x768xf32, #tpu.memory_space<hbm>>) target(%arg8 : memref<48x768xf32, #tpu.memory_space<vmem>>) offsets(%dma_start3A_291 : memref<48xi32, #tpu.memory_space<vmem>>) semaphore(%arg12 : memref<!tpu.dma_semaphore, #tpu.memory_space<semaphore_mem>>)
    %dma_wait3A_295 = arith.constant 192 : i32
    %dma_wait3A_296 = tpu.memref_slice %arg6[%dma_wait3A_295] : memref<288xi32, #tpu.memory_space<vmem>> -> memref<48xi32, #tpu.memory_space<vmem>>
    %dma_wait3A_297 = arith.constant 0 : i32
    %dma_wait3A_298 = arith.constant 0 : i32
    %dma_wait3A_299 = tpu.memref_slice %arg2[%dma_wait3A_297, %dma_wait3A_298] : memref<36864x768xf32, #tpu.memory_space<hbm>> -> memref<36864x768xf32, #tpu.memory_space<hbm>>
    tpu.wait_indirect_dma semaphore(%arg11 : memref<!tpu.dma_semaphore, #tpu.memory_space<semaphore_mem>>) src(%dma_wait3A_299 : memref<36864x768xf32, #tpu.memory_space<hbm>>) dst(%arg7 : memref<48x768xf32, #tpu.memory_space<vmem>>)
    %mul3A_300 = arith.constant 2 : i32
    %mul3A_301 = arith.muli %add3A, %mul3A_300 : i32
    %add3A_302 = arith.constant 1 : i32
    %add3A_303 = arith.addi %mul3A_301, %add3A_302 : i32
    %mul3A_304 = arith.constant 576 : i32
    %mul3A_305 = arith.muli %add3A_303, %mul3A_304 : i32
    %add3A_306 = arith.constant 48 : i32
    %add3A_307 = arith.addi %mul3A_305, %add3A_306 : i32
    "tpu.region"() ({
      %run_scoped3A = tpu.sem_alloc : memref<!tpu.dma_semaphore, #tpu.memory_space<semaphore_mem>>
      %dma_start3A_393 = arith.constant 0 : i32
      %dma_start3A_394 = tpu.memref_slice %arg5[%add3A_307, %dma_start3A_393] : memref<36864x768xf32, #tpu.memory_space<hbm>> -> memref<48x768xf32, #tpu.memory_space<hbm>>
      %dma_start3A_395 = arith.constant 0 : i32
      %dma_start3A_396 = tpu.memref_slice %arg5[%add3A_307, %dma_start3A_395] : memref<36864x768xf32, #tpu.memory_space<hbm>> -> memref<48x768xf32, #tpu.memory_space<hbm>>
      tpu.enqueue_dma source(%arg7 : memref<48x768xf32, #tpu.memory_space<vmem>>) target(%dma_start3A_396 : memref<48x768xf32, #tpu.memory_space<hbm>>) target_semaphore(%run_scoped3A : memref<!tpu.dma_semaphore, #tpu.memory_space<semaphore_mem>>)
      %dma_wait3A_397 = arith.constant 0 : i32
      %dma_wait3A_398 = tpu.memref_slice %arg5[%add3A_307, %dma_wait3A_397] : memref<36864x768xf32, #tpu.memory_space<hbm>> -> memref<48x768xf32, #tpu.memory_space<hbm>>
      %dma_wait3A_399 = arith.constant 0 : i32
      %dma_wait3A_400 = tpu.memref_slice %arg5[%add3A_307, %dma_wait3A_399] : memref<36864x768xf32, #tpu.memory_space<hbm>> -> memref<48x768xf32, #tpu.memory_space<hbm>>
      tpu.wait_dma2 semaphore(%run_scoped3A : memref<!tpu.dma_semaphore, #tpu.memory_space<semaphore_mem>>) src(%arg7 : memref<48x768xf32, #tpu.memory_space<vmem>>) dst(%dma_wait3A_400 : memref<48x768xf32, #tpu.memory_space<hbm>>)
      tpu.yield
    }) : () -> ()
    %dma_wait3A_308 = arith.constant 240 : i32
    %dma_wait3A_309 = tpu.memref_slice %arg6[%dma_wait3A_308] : memref<288xi32, #tpu.memory_space<vmem>> -> memref<48xi32, #tpu.memory_space<vmem>>
    %dma_wait3A_310 = arith.constant 0 : i32
    %dma_wait3A_311 = arith.constant 0 : i32
    %dma_wait3A_312 = tpu.memref_slice %arg2[%dma_wait3A_310, %dma_wait3A_311] : memref<36864x768xf32, #tpu.memory_space<hbm>> -> memref<36864x768xf32, #tpu.memory_space<hbm>>
    tpu.wait_indirect_dma semaphore(%arg12 : memref<!tpu.dma_semaphore, #tpu.memory_space<semaphore_mem>>) src(%dma_wait3A_312 : memref<36864x768xf32, #tpu.memory_space<hbm>>) dst(%arg8 : memref<48x768xf32, #tpu.memory_space<vmem>>)
    %mul3A_313 = arith.constant 2 : i32
    %mul3A_314 = arith.muli %add3A, %mul3A_313 : i32
    %add3A_315 = arith.constant 1 : i32
    %add3A_316 = arith.addi %mul3A_314, %add3A_315 : i32
    %mul3A_317 = arith.constant 576 : i32
    %mul3A_318 = arith.muli %add3A_316, %mul3A_317 : i32
    %add3A_319 = arith.constant 96 : i32
    %add3A_320 = arith.addi %mul3A_318, %add3A_319 : i32
    "tpu.region"() ({
      %run_scoped3A = tpu.sem_alloc : memref<!tpu.dma_semaphore, #tpu.memory_space<semaphore_mem>>
      %dma_start3A_393 = arith.constant 0 : i32
      %dma_start3A_394 = tpu.memref_slice %arg5[%add3A_320, %dma_start3A_393] : memref<36864x768xf32, #tpu.memory_space<hbm>> -> memref<48x768xf32, #tpu.memory_space<hbm>>
      %dma_start3A_395 = arith.constant 0 : i32
      %dma_start3A_396 = tpu.memref_slice %arg5[%add3A_320, %dma_start3A_395] : memref<36864x768xf32, #tpu.memory_space<hbm>> -> memref<48x768xf32, #tpu.memory_space<hbm>>
      tpu.enqueue_dma source(%arg8 : memref<48x768xf32, #tpu.memory_space<vmem>>) target(%dma_start3A_396 : memref<48x768xf32, #tpu.memory_space<hbm>>) target_semaphore(%run_scoped3A : memref<!tpu.dma_semaphore, #tpu.memory_space<semaphore_mem>>)
      %dma_wait3A_397 = arith.constant 0 : i32
      %dma_wait3A_398 = tpu.memref_slice %arg5[%add3A_320, %dma_wait3A_397] : memref<36864x768xf32, #tpu.memory_space<hbm>> -> memref<48x768xf32, #tpu.memory_space<hbm>>
      %dma_wait3A_399 = arith.constant 0 : i32
      %dma_wait3A_400 = tpu.memref_slice %arg5[%add3A_320, %dma_wait3A_399] : memref<36864x768xf32, #tpu.memory_space<hbm>> -> memref<48x768xf32, #tpu.memory_space<hbm>>
      tpu.wait_dma2 semaphore(%run_scoped3A : memref<!tpu.dma_semaphore, #tpu.memory_space<semaphore_mem>>) src(%arg8 : memref<48x768xf32, #tpu.memory_space<vmem>>) dst(%dma_wait3A_400 : memref<48x768xf32, #tpu.memory_space<hbm>>)
      tpu.yield
    }) : () -> ()
    %dma_wait3A_321 = arith.constant 0 : i32
    %dma_wait3A_322 = tpu.memref_slice %arg5[%add3A_34, %dma_wait3A_321] : memref<36864x768xf32, #tpu.memory_space<hbm>> -> memref<48x768xf32, #tpu.memory_space<hbm>>
    %dma_wait3A_323 = arith.constant 0 : i32
    %dma_wait3A_324 = tpu.memref_slice %arg5[%add3A_34, %dma_wait3A_323] : memref<36864x768xf32, #tpu.memory_space<hbm>> -> memref<48x768xf32, #tpu.memory_space<hbm>>
    tpu.wait_dma2 semaphore(%arg13 : memref<!tpu.dma_semaphore, #tpu.memory_space<semaphore_mem>>) src(%arg9 : memref<48x768xf32, #tpu.memory_space<vmem>>) dst(%dma_wait3A_324 : memref<48x768xf32, #tpu.memory_space<hbm>>)
    %dma_wait3A_325 = arith.constant 0 : i32
    %dma_wait3A_326 = tpu.memref_slice %arg5[%add3A_44, %dma_wait3A_325] : memref<36864x768xf32, #tpu.memory_space<hbm>> -> memref<48x768xf32, #tpu.memory_space<hbm>>
    %dma_wait3A_327 = arith.constant 0 : i32
    %dma_wait3A_328 = tpu.memref_slice %arg5[%add3A_44, %dma_wait3A_327] : memref<36864x768xf32, #tpu.memory_space<hbm>> -> memref<48x768xf32, #tpu.memory_space<hbm>>
    tpu.wait_dma2 semaphore(%arg13 : memref<!tpu.dma_semaphore, #tpu.memory_space<semaphore_mem>>) src(%arg9 : memref<48x768xf32, #tpu.memory_space<vmem>>) dst(%dma_wait3A_328 : memref<48x768xf32, #tpu.memory_space<hbm>>)
    %dma_wait3A_329 = arith.constant 0 : i32
    %dma_wait3A_330 = tpu.memref_slice %arg5[%add3A_54, %dma_wait3A_329] : memref<36864x768xf32, #tpu.memory_space<hbm>> -> memref<48x768xf32, #tpu.memory_space<hbm>>
    %dma_wait3A_331 = arith.constant 0 : i32
    %dma_wait3A_332 = tpu.memref_slice %arg5[%add3A_54, %dma_wait3A_331] : memref<36864x768xf32, #tpu.memory_space<hbm>> -> memref<48x768xf32, #tpu.memory_space<hbm>>
    tpu.wait_dma2 semaphore(%arg13 : memref<!tpu.dma_semaphore, #tpu.memory_space<semaphore_mem>>) src(%arg9 : memref<48x768xf32, #tpu.memory_space<vmem>>) dst(%dma_wait3A_332 : memref<48x768xf32, #tpu.memory_space<hbm>>)
    %dma_wait3A_333 = arith.constant 0 : i32
    %dma_wait3A_334 = tpu.memref_slice %arg5[%add3A_64, %dma_wait3A_333] : memref<36864x768xf32, #tpu.memory_space<hbm>> -> memref<48x768xf32, #tpu.memory_space<hbm>>
    %dma_wait3A_335 = arith.constant 0 : i32
    %dma_wait3A_336 = tpu.memref_slice %arg5[%add3A_64, %dma_wait3A_335] : memref<36864x768xf32, #tpu.memory_space<hbm>> -> memref<48x768xf32, #tpu.memory_space<hbm>>
    tpu.wait_dma2 semaphore(%arg13 : memref<!tpu.dma_semaphore, #tpu.memory_space<semaphore_mem>>) src(%arg9 : memref<48x768xf32, #tpu.memory_space<vmem>>) dst(%dma_wait3A_336 : memref<48x768xf32, #tpu.memory_space<hbm>>)
    %dma_wait3A_337 = arith.constant 0 : i32
    %dma_wait3A_338 = tpu.memref_slice %arg5[%add3A_74, %dma_wait3A_337] : memref<36864x768xf32, #tpu.memory_space<hbm>> -> memref<48x768xf32, #tpu.memory_space<hbm>>
    %dma_wait3A_339 = arith.constant 0 : i32
    %dma_wait3A_340 = tpu.memref_slice %arg5[%add3A_74, %dma_wait3A_339] : memref<36864x768xf32, #tpu.memory_space<hbm>> -> memref<48x768xf32, #tpu.memory_space<hbm>>
    tpu.wait_dma2 semaphore(%arg13 : memref<!tpu.dma_semaphore, #tpu.memory_space<semaphore_mem>>) src(%arg9 : memref<48x768xf32, #tpu.memory_space<vmem>>) dst(%dma_wait3A_340 : memref<48x768xf32, #tpu.memory_space<hbm>>)
    %dma_wait3A_341 = arith.constant 0 : i32
    %dma_wait3A_342 = tpu.memref_slice %arg5[%add3A_84, %dma_wait3A_341] : memref<36864x768xf32, #tpu.memory_space<hbm>> -> memref<48x768xf32, #tpu.memory_space<hbm>>
    %dma_wait3A_343 = arith.constant 0 : i32
    %dma_wait3A_344 = tpu.memref_slice %arg5[%add3A_84, %dma_wait3A_343] : memref<36864x768xf32, #tpu.memory_space<hbm>> -> memref<48x768xf32, #tpu.memory_space<hbm>>
    tpu.wait_dma2 semaphore(%arg13 : memref<!tpu.dma_semaphore, #tpu.memory_space<semaphore_mem>>) src(%arg9 : memref<48x768xf32, #tpu.memory_space<vmem>>) dst(%dma_wait3A_344 : memref<48x768xf32, #tpu.memory_space<hbm>>)
    %dma_wait3A_345 = arith.constant 0 : i32
    %dma_wait3A_346 = tpu.memref_slice %arg5[%add3A_94, %dma_wait3A_345] : memref<36864x768xf32, #tpu.memory_space<hbm>> -> memref<48x768xf32, #tpu.memory_space<hbm>>
    %dma_wait3A_347 = arith.constant 0 : i32
    %dma_wait3A_348 = tpu.memref_slice %arg5[%add3A_94, %dma_wait3A_347] : memref<36864x768xf32, #tpu.memory_space<hbm>> -> memref<48x768xf32, #tpu.memory_space<hbm>>
    tpu.wait_dma2 semaphore(%arg13 : memref<!tpu.dma_semaphore, #tpu.memory_space<semaphore_mem>>) src(%arg9 : memref<48x768xf32, #tpu.memory_space<vmem>>) dst(%dma_wait3A_348 : memref<48x768xf32, #tpu.memory_space<hbm>>)
    %dma_wait3A_349 = arith.constant 0 : i32
    %dma_wait3A_350 = tpu.memref_slice %arg5[%add3A_104, %dma_wait3A_349] : memref<36864x768xf32, #tpu.memory_space<hbm>> -> memref<48x768xf32, #tpu.memory_space<hbm>>
    %dma_wait3A_351 = arith.constant 0 : i32
    %dma_wait3A_352 = tpu.memref_slice %arg5[%add3A_104, %dma_wait3A_351] : memref<36864x768xf32, #tpu.memory_space<hbm>> -> memref<48x768xf32, #tpu.memory_space<hbm>>
    tpu.wait_dma2 semaphore(%arg13 : memref<!tpu.dma_semaphore, #tpu.memory_space<semaphore_mem>>) src(%arg9 : memref<48x768xf32, #tpu.memory_space<vmem>>) dst(%dma_wait3A_352 : memref<48x768xf32, #tpu.memory_space<hbm>>)
    %dma_wait3A_353 = arith.constant 0 : i32
    %dma_wait3A_354 = tpu.memref_slice %arg5[%add3A_114, %dma_wait3A_353] : memref<36864x768xf32, #tpu.memory_space<hbm>> -> memref<48x768xf32, #tpu.memory_space<hbm>>
    %dma_wait3A_355 = arith.constant 0 : i32
    %dma_wait3A_356 = tpu.memref_slice %arg5[%add3A_114, %dma_wait3A_355] : memref<36864x768xf32, #tpu.memory_space<hbm>> -> memref<48x768xf32, #tpu.memory_space<hbm>>
    tpu.wait_dma2 semaphore(%arg13 : memref<!tpu.dma_semaphore, #tpu.memory_space<semaphore_mem>>) src(%arg9 : memref<48x768xf32, #tpu.memory_space<vmem>>) dst(%dma_wait3A_356 : memref<48x768xf32, #tpu.memory_space<hbm>>)
    %dma_wait3A_357 = arith.constant 0 : i32
    %dma_wait3A_358 = tpu.memref_slice %arg5[%add3A_128, %dma_wait3A_357] : memref<36864x768xf32, #tpu.memory_space<hbm>> -> memref<48x768xf32, #tpu.memory_space<hbm>>
    %dma_wait3A_359 = arith.constant 0 : i32
    %dma_wait3A_360 = tpu.memref_slice %arg5[%add3A_128, %dma_wait3A_359] : memref<36864x768xf32, #tpu.memory_space<hbm>> -> memref<48x768xf32, #tpu.memory_space<hbm>>
    tpu.wait_dma2 semaphore(%arg13 : memref<!tpu.dma_semaphore, #tpu.memory_space<semaphore_mem>>) src(%arg9 : memref<48x768xf32, #tpu.memory_space<vmem>>) dst(%dma_wait3A_360 : memref<48x768xf32, #tpu.memory_space<hbm>>)
    %dma_wait3A_361 = arith.constant 0 : i32
    %dma_wait3A_362 = tpu.memref_slice %arg5[%add3A_138, %dma_wait3A_361] : memref<36864x768xf32, #tpu.memory_space<hbm>> -> memref<48x768xf32, #tpu.memory_space<hbm>>
    %dma_wait3A_363 = arith.constant 0 : i32
    %dma_wait3A_364 = tpu.memref_slice %arg5[%add3A_138, %dma_wait3A_363] : memref<36864x768xf32, #tpu.memory_space<hbm>> -> memref<48x768xf32, #tpu.memory_space<hbm>>
    tpu.wait_dma2 semaphore(%arg13 : memref<!tpu.dma_semaphore, #tpu.memory_space<semaphore_mem>>) src(%arg9 : memref<48x768xf32, #tpu.memory_space<vmem>>) dst(%dma_wait3A_364 : memref<48x768xf32, #tpu.memory_space<hbm>>)
    %dma_wait3A_365 = arith.constant 0 : i32
    %dma_wait3A_366 = tpu.memref_slice %arg5[%add3A_148, %dma_wait3A_365] : memref<36864x768xf32, #tpu.memory_space<hbm>> -> memref<48x768xf32, #tpu.memory_space<hbm>>
    %dma_wait3A_367 = arith.constant 0 : i32
    %dma_wait3A_368 = tpu.memref_slice %arg5[%add3A_148, %dma_wait3A_367] : memref<36864x768xf32, #tpu.memory_space<hbm>> -> memref<48x768xf32, #tpu.memory_space<hbm>>
    tpu.wait_dma2 semaphore(%arg13 : memref<!tpu.dma_semaphore, #tpu.memory_space<semaphore_mem>>) src(%arg9 : memref<48x768xf32, #tpu.memory_space<vmem>>) dst(%dma_wait3A_368 : memref<48x768xf32, #tpu.memory_space<hbm>>)
    %dma_wait3A_369 = arith.constant 0 : i32
    %dma_wait3A_370 = tpu.memref_slice %arg5[%add3A_158, %dma_wait3A_369] : memref<36864x768xf32, #tpu.memory_space<hbm>> -> memref<48x768xf32, #tpu.memory_space<hbm>>
    %dma_wait3A_371 = arith.constant 0 : i32
    %dma_wait3A_372 = tpu.memref_slice %arg5[%add3A_158, %dma_wait3A_371] : memref<36864x768xf32, #tpu.memory_space<hbm>> -> memref<48x768xf32, #tpu.memory_space<hbm>>
    tpu.wait_dma2 semaphore(%arg13 : memref<!tpu.dma_semaphore, #tpu.memory_space<semaphore_mem>>) src(%arg9 : memref<48x768xf32, #tpu.memory_space<vmem>>) dst(%dma_wait3A_372 : memref<48x768xf32, #tpu.memory_space<hbm>>)
    %dma_wait3A_373 = arith.constant 0 : i32
    %dma_wait3A_374 = tpu.memref_slice %arg5[%add3A_168, %dma_wait3A_373] : memref<36864x768xf32, #tpu.memory_space<hbm>> -> memref<48x768xf32, #tpu.memory_space<hbm>>
    %dma_wait3A_375 = arith.constant 0 : i32
    %dma_wait3A_376 = tpu.memref_slice %arg5[%add3A_168, %dma_wait3A_375] : memref<36864x768xf32, #tpu.memory_space<hbm>> -> memref<48x768xf32, #tpu.memory_space<hbm>>
    tpu.wait_dma2 semaphore(%arg13 : memref<!tpu.dma_semaphore, #tpu.memory_space<semaphore_mem>>) src(%arg9 : memref<48x768xf32, #tpu.memory_space<vmem>>) dst(%dma_wait3A_376 : memref<48x768xf32, #tpu.memory_space<hbm>>)
    %dma_wait3A_377 = arith.constant 0 : i32
    %dma_wait3A_378 = tpu.memref_slice %arg5[%add3A_178, %dma_wait3A_377] : memref<36864x768xf32, #tpu.memory_space<hbm>> -> memref<48x768xf32, #tpu.memory_space<hbm>>
    %dma_wait3A_379 = arith.constant 0 : i32
    %dma_wait3A_380 = tpu.memref_slice %arg5[%add3A_178, %dma_wait3A_379] : memref<36864x768xf32, #tpu.memory_space<hbm>> -> memref<48x768xf32, #tpu.memory_space<hbm>>
    tpu.wait_dma2 semaphore(%arg13 : memref<!tpu.dma_semaphore, #tpu.memory_space<semaphore_mem>>) src(%arg9 : memref<48x768xf32, #tpu.memory_space<vmem>>) dst(%dma_wait3A_380 : memref<48x768xf32, #tpu.memory_space<hbm>>)
    %dma_wait3A_381 = arith.constant 0 : i32
    %dma_wait3A_382 = tpu.memref_slice %arg5[%add3A_188, %dma_wait3A_381] : memref<36864x768xf32, #tpu.memory_space<hbm>> -> memref<48x768xf32, #tpu.memory_space<hbm>>
    %dma_wait3A_383 = arith.constant 0 : i32
    %dma_wait3A_384 = tpu.memref_slice %arg5[%add3A_188, %dma_wait3A_383] : memref<36864x768xf32, #tpu.memory_space<hbm>> -> memref<48x768xf32, #tpu.memory_space<hbm>>
    tpu.wait_dma2 semaphore(%arg13 : memref<!tpu.dma_semaphore, #tpu.memory_space<semaphore_mem>>) src(%arg9 : memref<48x768xf32, #tpu.memory_space<vmem>>) dst(%dma_wait3A_384 : memref<48x768xf32, #tpu.memory_space<hbm>>)
    %dma_wait3A_385 = arith.constant 0 : i32
    %dma_wait3A_386 = tpu.memref_slice %arg5[%add3A_198, %dma_wait3A_385] : memref<36864x768xf32, #tpu.memory_space<hbm>> -> memref<48x768xf32, #tpu.memory_space<hbm>>
    %dma_wait3A_387 = arith.constant 0 : i32
    %dma_wait3A_388 = tpu.memref_slice %arg5[%add3A_198, %dma_wait3A_387] : memref<36864x768xf32, #tpu.memory_space<hbm>> -> memref<48x768xf32, #tpu.memory_space<hbm>>
    tpu.wait_dma2 semaphore(%arg13 : memref<!tpu.dma_semaphore, #tpu.memory_space<semaphore_mem>>) src(%arg9 : memref<48x768xf32, #tpu.memory_space<vmem>>) dst(%dma_wait3A_388 : memref<48x768xf32, #tpu.memory_space<hbm>>)
    %dma_wait3A_389 = arith.constant 0 : i32
    %dma_wait3A_390 = tpu.memref_slice %arg5[%add3A_208, %dma_wait3A_389] : memref<36864x768xf32, #tpu.memory_space<hbm>> -> memref<48x768xf32, #tpu.memory_space<hbm>>
    %dma_wait3A_391 = arith.constant 0 : i32
    %dma_wait3A_392 = tpu.memref_slice %arg5[%add3A_208, %dma_wait3A_391] : memref<36864x768xf32, #tpu.memory_space<hbm>> -> memref<48x768xf32, #tpu.memory_space<hbm>>
    tpu.wait_dma2 semaphore(%arg13 : memref<!tpu.dma_semaphore, #tpu.memory_space<semaphore_mem>>) src(%arg9 : memref<48x768xf32, #tpu.memory_space<vmem>>) dst(%dma_wait3A_392 : memref<48x768xf32, #tpu.memory_space<hbm>>)
    return
  }
}

module attributes {stable_mosaic.version = 14 : i64} {
  func.func @_index_kernel(%arg0: i32, %arg1: memref<1x1x576xf32, #tpu.memory_space<vmem>>, %arg2: memref<1x576x1xf32, #tpu.memory_space<vmem>>, %arg3: memref<1x1x432xi32, #tpu.memory_space<vmem>>, %arg4: memref<1x1x144xi32, #tpu.memory_space<vmem>>) attributes {dimension_semantics = [#tpu.dimension_semantics<arbitrary>], iteration_bounds = array<i64: 64>, scalar_prefetch = 0 : i64, scratch_operands = 0 : i64, tpu.core_type = #tpu.core_type<tc>, window_params = [{transform_indices = @transform_0, window_bounds = array<i64: 1, 1, 576>}, {transform_indices = @transform_1, window_bounds = array<i64: 1, 576, 1>}, {transform_indices = @transform_2, window_bounds = array<i64: 1, 1, 432>}, {transform_indices = @transform_3, window_bounds = array<i64: 1, 1, 144>}]} {
    %get3A = arith.constant 0 : index
    %get3A_0 = arith.constant 0 : index
    %get3A_1 = arith.constant 0 : index
    %get3A_2 = vector.load %arg1[%get3A, %get3A_0, %get3A_1] : memref<1x1x576xf32, #tpu.memory_space<vmem>>, vector<1x1x576xf32>
    %get3A_3 = vector.shape_cast %get3A_2 : vector<1x1x576xf32> to vector<576xf32>
    %broadcast_in_dim3A = vector.shape_cast %get3A_3 : vector<576xf32> to vector<1x576xf32>
    %broadcast_in_dim3A_4 = arith.constant 0.000000e+00 : f32
    %broadcast_in_dim3A_5 = vector.broadcast %broadcast_in_dim3A_4 : f32 to vector<1x576xf32>
    %get3A_6 = arith.constant 0 : index
    %get3A_7 = arith.constant 0 : index
    %get3A_8 = arith.constant 0 : index
    %get3A_9 = vector.load %arg2[%get3A_6, %get3A_7, %get3A_8] : memref<1x576x1xf32, #tpu.memory_space<vmem>>, vector<1x48x1xf32>
    %get3A_10 = vector.shape_cast %get3A_9 : vector<1x48x1xf32> to vector<48x1xf32>
    %lt3A = vector.broadcast %get3A_10 : vector<48x1xf32> to vector<48x576xf32>
    %lt3A_11 = vector.broadcast %broadcast_in_dim3A : vector<1x576xf32> to vector<48x576xf32>
    %lt3A_12 = arith.cmpf olt, %lt3A, %lt3A_11 : vector<48x576xf32>
    %convert_element_type3A = arith.extui %lt3A_12 : vector<48x576xi1> to vector<48x576xi32>
    %convert_element_type3A_13 = arith.sitofp %convert_element_type3A : vector<48x576xi32> to vector<48x576xf32>
    %reduce_sum3A = arith.constant dense<0.000000e+00> : vector<576xf32>
    %reduce_sum3A_14 = vector.multi_reduction <add>, %convert_element_type3A_13, %reduce_sum3A [0] : vector<48x576xf32> to vector<576xf32>
    %broadcast_in_dim3A_15 = vector.shape_cast %reduce_sum3A_14 : vector<576xf32> to vector<1x576xf32>
    %add3A = arith.addf %broadcast_in_dim3A_5, %broadcast_in_dim3A_15 : vector<1x576xf32>
    %get3A_16 = arith.constant 0 : index
    %get3A_17 = arith.constant 48 : index
    %get3A_18 = arith.constant 0 : index
    %get3A_19 = vector.load %arg2[%get3A_16, %get3A_17, %get3A_18] : memref<1x576x1xf32, #tpu.memory_space<vmem>>, vector<1x48x1xf32>
    %get3A_20 = vector.shape_cast %get3A_19 : vector<1x48x1xf32> to vector<48x1xf32>
    %lt3A_21 = vector.broadcast %get3A_20 : vector<48x1xf32> to vector<48x576xf32>
    %lt3A_22 = vector.broadcast %broadcast_in_dim3A : vector<1x576xf32> to vector<48x576xf32>
    %lt3A_23 = arith.cmpf olt, %lt3A_21, %lt3A_22 : vector<48x576xf32>
    %convert_element_type3A_24 = arith.extui %lt3A_23 : vector<48x576xi1> to vector<48x576xi32>
    %convert_element_type3A_25 = arith.sitofp %convert_element_type3A_24 : vector<48x576xi32> to vector<48x576xf32>
    %reduce_sum3A_26 = arith.constant dense<0.000000e+00> : vector<576xf32>
    %reduce_sum3A_27 = vector.multi_reduction <add>, %convert_element_type3A_25, %reduce_sum3A_26 [0] : vector<48x576xf32> to vector<576xf32>
    %broadcast_in_dim3A_28 = vector.shape_cast %reduce_sum3A_27 : vector<576xf32> to vector<1x576xf32>
    %add3A_29 = arith.addf %add3A, %broadcast_in_dim3A_28 : vector<1x576xf32>
    %get3A_30 = arith.constant 0 : index
    %get3A_31 = arith.constant 96 : index
    %get3A_32 = arith.constant 0 : index
    %get3A_33 = vector.load %arg2[%get3A_30, %get3A_31, %get3A_32] : memref<1x576x1xf32, #tpu.memory_space<vmem>>, vector<1x48x1xf32>
    %get3A_34 = vector.shape_cast %get3A_33 : vector<1x48x1xf32> to vector<48x1xf32>
    %lt3A_35 = vector.broadcast %get3A_34 : vector<48x1xf32> to vector<48x576xf32>
    %lt3A_36 = vector.broadcast %broadcast_in_dim3A : vector<1x576xf32> to vector<48x576xf32>
    %lt3A_37 = arith.cmpf olt, %lt3A_35, %lt3A_36 : vector<48x576xf32>
    %convert_element_type3A_38 = arith.extui %lt3A_37 : vector<48x576xi1> to vector<48x576xi32>
    %convert_element_type3A_39 = arith.sitofp %convert_element_type3A_38 : vector<48x576xi32> to vector<48x576xf32>
    %reduce_sum3A_40 = arith.constant dense<0.000000e+00> : vector<576xf32>
    %reduce_sum3A_41 = vector.multi_reduction <add>, %convert_element_type3A_39, %reduce_sum3A_40 [0] : vector<48x576xf32> to vector<576xf32>
    %broadcast_in_dim3A_42 = vector.shape_cast %reduce_sum3A_41 : vector<576xf32> to vector<1x576xf32>
    %add3A_43 = arith.addf %add3A_29, %broadcast_in_dim3A_42 : vector<1x576xf32>
    %get3A_44 = arith.constant 0 : index
    %get3A_45 = arith.constant 144 : index
    %get3A_46 = arith.constant 0 : index
    %get3A_47 = vector.load %arg2[%get3A_44, %get3A_45, %get3A_46] : memref<1x576x1xf32, #tpu.memory_space<vmem>>, vector<1x48x1xf32>
    %get3A_48 = vector.shape_cast %get3A_47 : vector<1x48x1xf32> to vector<48x1xf32>
    %lt3A_49 = vector.broadcast %get3A_48 : vector<48x1xf32> to vector<48x576xf32>
    %lt3A_50 = vector.broadcast %broadcast_in_dim3A : vector<1x576xf32> to vector<48x576xf32>
    %lt3A_51 = arith.cmpf olt, %lt3A_49, %lt3A_50 : vector<48x576xf32>
    %convert_element_type3A_52 = arith.extui %lt3A_51 : vector<48x576xi1> to vector<48x576xi32>
    %convert_element_type3A_53 = arith.sitofp %convert_element_type3A_52 : vector<48x576xi32> to vector<48x576xf32>
    %reduce_sum3A_54 = arith.constant dense<0.000000e+00> : vector<576xf32>
    %reduce_sum3A_55 = vector.multi_reduction <add>, %convert_element_type3A_53, %reduce_sum3A_54 [0] : vector<48x576xf32> to vector<576xf32>
    %broadcast_in_dim3A_56 = vector.shape_cast %reduce_sum3A_55 : vector<576xf32> to vector<1x576xf32>
    %add3A_57 = arith.addf %add3A_43, %broadcast_in_dim3A_56 : vector<1x576xf32>
    %get3A_58 = arith.constant 0 : index
    %get3A_59 = arith.constant 192 : index
    %get3A_60 = arith.constant 0 : index
    %get3A_61 = vector.load %arg2[%get3A_58, %get3A_59, %get3A_60] : memref<1x576x1xf32, #tpu.memory_space<vmem>>, vector<1x48x1xf32>
    %get3A_62 = vector.shape_cast %get3A_61 : vector<1x48x1xf32> to vector<48x1xf32>
    %lt3A_63 = vector.broadcast %get3A_62 : vector<48x1xf32> to vector<48x576xf32>
    %lt3A_64 = vector.broadcast %broadcast_in_dim3A : vector<1x576xf32> to vector<48x576xf32>
    %lt3A_65 = arith.cmpf olt, %lt3A_63, %lt3A_64 : vector<48x576xf32>
    %convert_element_type3A_66 = arith.extui %lt3A_65 : vector<48x576xi1> to vector<48x576xi32>
    %convert_element_type3A_67 = arith.sitofp %convert_element_type3A_66 : vector<48x576xi32> to vector<48x576xf32>
    %reduce_sum3A_68 = arith.constant dense<0.000000e+00> : vector<576xf32>
    %reduce_sum3A_69 = vector.multi_reduction <add>, %convert_element_type3A_67, %reduce_sum3A_68 [0] : vector<48x576xf32> to vector<576xf32>
    %broadcast_in_dim3A_70 = vector.shape_cast %reduce_sum3A_69 : vector<576xf32> to vector<1x576xf32>
    %add3A_71 = arith.addf %add3A_57, %broadcast_in_dim3A_70 : vector<1x576xf32>
    %get3A_72 = arith.constant 0 : index
    %get3A_73 = arith.constant 240 : index
    %get3A_74 = arith.constant 0 : index
    %get3A_75 = vector.load %arg2[%get3A_72, %get3A_73, %get3A_74] : memref<1x576x1xf32, #tpu.memory_space<vmem>>, vector<1x48x1xf32>
    %get3A_76 = vector.shape_cast %get3A_75 : vector<1x48x1xf32> to vector<48x1xf32>
    %lt3A_77 = vector.broadcast %get3A_76 : vector<48x1xf32> to vector<48x576xf32>
    %lt3A_78 = vector.broadcast %broadcast_in_dim3A : vector<1x576xf32> to vector<48x576xf32>
    %lt3A_79 = arith.cmpf olt, %lt3A_77, %lt3A_78 : vector<48x576xf32>
    %convert_element_type3A_80 = arith.extui %lt3A_79 : vector<48x576xi1> to vector<48x576xi32>
    %convert_element_type3A_81 = arith.sitofp %convert_element_type3A_80 : vector<48x576xi32> to vector<48x576xf32>
    %reduce_sum3A_82 = arith.constant dense<0.000000e+00> : vector<576xf32>
    %reduce_sum3A_83 = vector.multi_reduction <add>, %convert_element_type3A_81, %reduce_sum3A_82 [0] : vector<48x576xf32> to vector<576xf32>
    %broadcast_in_dim3A_84 = vector.shape_cast %reduce_sum3A_83 : vector<576xf32> to vector<1x576xf32>
    %add3A_85 = arith.addf %add3A_71, %broadcast_in_dim3A_84 : vector<1x576xf32>
    %get3A_86 = arith.constant 0 : index
    %get3A_87 = arith.constant 288 : index
    %get3A_88 = arith.constant 0 : index
    %get3A_89 = vector.load %arg2[%get3A_86, %get3A_87, %get3A_88] : memref<1x576x1xf32, #tpu.memory_space<vmem>>, vector<1x48x1xf32>
    %get3A_90 = vector.shape_cast %get3A_89 : vector<1x48x1xf32> to vector<48x1xf32>
    %lt3A_91 = vector.broadcast %get3A_90 : vector<48x1xf32> to vector<48x576xf32>
    %lt3A_92 = vector.broadcast %broadcast_in_dim3A : vector<1x576xf32> to vector<48x576xf32>
    %lt3A_93 = arith.cmpf olt, %lt3A_91, %lt3A_92 : vector<48x576xf32>
    %convert_element_type3A_94 = arith.extui %lt3A_93 : vector<48x576xi1> to vector<48x576xi32>
    %convert_element_type3A_95 = arith.sitofp %convert_element_type3A_94 : vector<48x576xi32> to vector<48x576xf32>
    %reduce_sum3A_96 = arith.constant dense<0.000000e+00> : vector<576xf32>
    %reduce_sum3A_97 = vector.multi_reduction <add>, %convert_element_type3A_95, %reduce_sum3A_96 [0] : vector<48x576xf32> to vector<576xf32>
    %broadcast_in_dim3A_98 = vector.shape_cast %reduce_sum3A_97 : vector<576xf32> to vector<1x576xf32>
    %add3A_99 = arith.addf %add3A_85, %broadcast_in_dim3A_98 : vector<1x576xf32>
    %get3A_100 = arith.constant 0 : index
    %get3A_101 = arith.constant 336 : index
    %get3A_102 = arith.constant 0 : index
    %get3A_103 = vector.load %arg2[%get3A_100, %get3A_101, %get3A_102] : memref<1x576x1xf32, #tpu.memory_space<vmem>>, vector<1x48x1xf32>
    %get3A_104 = vector.shape_cast %get3A_103 : vector<1x48x1xf32> to vector<48x1xf32>
    %lt3A_105 = vector.broadcast %get3A_104 : vector<48x1xf32> to vector<48x576xf32>
    %lt3A_106 = vector.broadcast %broadcast_in_dim3A : vector<1x576xf32> to vector<48x576xf32>
    %lt3A_107 = arith.cmpf olt, %lt3A_105, %lt3A_106 : vector<48x576xf32>
    %convert_element_type3A_108 = arith.extui %lt3A_107 : vector<48x576xi1> to vector<48x576xi32>
    %convert_element_type3A_109 = arith.sitofp %convert_element_type3A_108 : vector<48x576xi32> to vector<48x576xf32>
    %reduce_sum3A_110 = arith.constant dense<0.000000e+00> : vector<576xf32>
    %reduce_sum3A_111 = vector.multi_reduction <add>, %convert_element_type3A_109, %reduce_sum3A_110 [0] : vector<48x576xf32> to vector<576xf32>
    %broadcast_in_dim3A_112 = vector.shape_cast %reduce_sum3A_111 : vector<576xf32> to vector<1x576xf32>
    %add3A_113 = arith.addf %add3A_99, %broadcast_in_dim3A_112 : vector<1x576xf32>
    %get3A_114 = arith.constant 0 : index
    %get3A_115 = arith.constant 384 : index
    %get3A_116 = arith.constant 0 : index
    %get3A_117 = vector.load %arg2[%get3A_114, %get3A_115, %get3A_116] : memref<1x576x1xf32, #tpu.memory_space<vmem>>, vector<1x48x1xf32>
    %get3A_118 = vector.shape_cast %get3A_117 : vector<1x48x1xf32> to vector<48x1xf32>
    %lt3A_119 = vector.broadcast %get3A_118 : vector<48x1xf32> to vector<48x576xf32>
    %lt3A_120 = vector.broadcast %broadcast_in_dim3A : vector<1x576xf32> to vector<48x576xf32>
    %lt3A_121 = arith.cmpf olt, %lt3A_119, %lt3A_120 : vector<48x576xf32>
    %convert_element_type3A_122 = arith.extui %lt3A_121 : vector<48x576xi1> to vector<48x576xi32>
    %convert_element_type3A_123 = arith.sitofp %convert_element_type3A_122 : vector<48x576xi32> to vector<48x576xf32>
    %reduce_sum3A_124 = arith.constant dense<0.000000e+00> : vector<576xf32>
    %reduce_sum3A_125 = vector.multi_reduction <add>, %convert_element_type3A_123, %reduce_sum3A_124 [0] : vector<48x576xf32> to vector<576xf32>
    %broadcast_in_dim3A_126 = vector.shape_cast %reduce_sum3A_125 : vector<576xf32> to vector<1x576xf32>
    %add3A_127 = arith.addf %add3A_113, %broadcast_in_dim3A_126 : vector<1x576xf32>
    %get3A_128 = arith.constant 0 : index
    %get3A_129 = arith.constant 432 : index
    %get3A_130 = arith.constant 0 : index
    %get3A_131 = vector.load %arg2[%get3A_128, %get3A_129, %get3A_130] : memref<1x576x1xf32, #tpu.memory_space<vmem>>, vector<1x48x1xf32>
    %get3A_132 = vector.shape_cast %get3A_131 : vector<1x48x1xf32> to vector<48x1xf32>
    %lt3A_133 = vector.broadcast %get3A_132 : vector<48x1xf32> to vector<48x576xf32>
    %lt3A_134 = vector.broadcast %broadcast_in_dim3A : vector<1x576xf32> to vector<48x576xf32>
    %lt3A_135 = arith.cmpf olt, %lt3A_133, %lt3A_134 : vector<48x576xf32>
    %convert_element_type3A_136 = arith.extui %lt3A_135 : vector<48x576xi1> to vector<48x576xi32>
    %convert_element_type3A_137 = arith.sitofp %convert_element_type3A_136 : vector<48x576xi32> to vector<48x576xf32>
    %reduce_sum3A_138 = arith.constant dense<0.000000e+00> : vector<576xf32>
    %reduce_sum3A_139 = vector.multi_reduction <add>, %convert_element_type3A_137, %reduce_sum3A_138 [0] : vector<48x576xf32> to vector<576xf32>
    %broadcast_in_dim3A_140 = vector.shape_cast %reduce_sum3A_139 : vector<576xf32> to vector<1x576xf32>
    %add3A_141 = arith.addf %add3A_127, %broadcast_in_dim3A_140 : vector<1x576xf32>
    %get3A_142 = arith.constant 0 : index
    %get3A_143 = arith.constant 480 : index
    %get3A_144 = arith.constant 0 : index
    %get3A_145 = vector.load %arg2[%get3A_142, %get3A_143, %get3A_144] : memref<1x576x1xf32, #tpu.memory_space<vmem>>, vector<1x48x1xf32>
    %get3A_146 = vector.shape_cast %get3A_145 : vector<1x48x1xf32> to vector<48x1xf32>
    %lt3A_147 = vector.broadcast %get3A_146 : vector<48x1xf32> to vector<48x576xf32>
    %lt3A_148 = vector.broadcast %broadcast_in_dim3A : vector<1x576xf32> to vector<48x576xf32>
    %lt3A_149 = arith.cmpf olt, %lt3A_147, %lt3A_148 : vector<48x576xf32>
    %convert_element_type3A_150 = arith.extui %lt3A_149 : vector<48x576xi1> to vector<48x576xi32>
    %convert_element_type3A_151 = arith.sitofp %convert_element_type3A_150 : vector<48x576xi32> to vector<48x576xf32>
    %reduce_sum3A_152 = arith.constant dense<0.000000e+00> : vector<576xf32>
    %reduce_sum3A_153 = vector.multi_reduction <add>, %convert_element_type3A_151, %reduce_sum3A_152 [0] : vector<48x576xf32> to vector<576xf32>
    %broadcast_in_dim3A_154 = vector.shape_cast %reduce_sum3A_153 : vector<576xf32> to vector<1x576xf32>
    %add3A_155 = arith.addf %add3A_141, %broadcast_in_dim3A_154 : vector<1x576xf32>
    %get3A_156 = arith.constant 0 : index
    %get3A_157 = arith.constant 528 : index
    %get3A_158 = arith.constant 0 : index
    %get3A_159 = vector.load %arg2[%get3A_156, %get3A_157, %get3A_158] : memref<1x576x1xf32, #tpu.memory_space<vmem>>, vector<1x48x1xf32>
    %get3A_160 = vector.shape_cast %get3A_159 : vector<1x48x1xf32> to vector<48x1xf32>
    %lt3A_161 = vector.broadcast %get3A_160 : vector<48x1xf32> to vector<48x576xf32>
    %lt3A_162 = vector.broadcast %broadcast_in_dim3A : vector<1x576xf32> to vector<48x576xf32>
    %lt3A_163 = arith.cmpf olt, %lt3A_161, %lt3A_162 : vector<48x576xf32>
    %convert_element_type3A_164 = arith.extui %lt3A_163 : vector<48x576xi1> to vector<48x576xi32>
    %convert_element_type3A_165 = arith.sitofp %convert_element_type3A_164 : vector<48x576xi32> to vector<48x576xf32>
    %reduce_sum3A_166 = arith.constant dense<0.000000e+00> : vector<576xf32>
    %reduce_sum3A_167 = vector.multi_reduction <add>, %convert_element_type3A_165, %reduce_sum3A_166 [0] : vector<48x576xf32> to vector<576xf32>
    %broadcast_in_dim3A_168 = vector.shape_cast %reduce_sum3A_167 : vector<576xf32> to vector<1x576xf32>
    %add3A_169 = arith.addf %add3A_155, %broadcast_in_dim3A_168 : vector<1x576xf32>
    %convert_element_type3A_170 = arith.fptosi %add3A_169 : vector<1x576xf32> to vector<1x576xi32>
    %iota3A = tpu.iota {dimensions = array<i32: 1>} : vector<48x576xi32>
    %iota3A_171 = tpu.iota {dimensions = array<i32: 0>} : vector<48x576xi32>
    %add3A_172 = arith.constant 0 : i32
    %add3A_173 = vector.broadcast %add3A_172 : i32 to vector<48x576xi32>
    %add3A_174 = arith.addi %iota3A_171, %add3A_173 : vector<48x576xi32>
    %eq3A = vector.broadcast %convert_element_type3A_170 : vector<1x576xi32> to vector<48x576xi32>
    %eq3A_175 = arith.cmpi eq, %eq3A, %add3A_174 : vector<48x576xi32>
    %jit3A = arith.constant 0 : i32
    %broadcast_in_dim3A_176 = vector.broadcast %jit3A : i32 to vector<48x576xi32>
    %select_n3A = arith.select %eq3A_175, %iota3A, %broadcast_in_dim3A_176 : vector<48x576xi1>, vector<48x576xi32>
    %reduce_sum3A_177 = arith.constant dense<0> : vector<48xi32>
    %reduce_sum3A_178 = vector.multi_reduction <add>, %select_n3A, %reduce_sum3A_177 [1] : vector<48x576xi32> to vector<48xi32>
    %swap3A = arith.constant 0 : index
    %swap3A_179 = arith.constant 0 : index
    %swap3A_180 = arith.constant 0 : index
    %swap3A_181 = vector.load %arg3[%swap3A, %swap3A_179, %swap3A_180] : memref<1x1x432xi32, #tpu.memory_space<vmem>>, vector<1x1x48xi32>
    %swap3A_182 = vector.shape_cast %swap3A_181 : vector<1x1x48xi32> to vector<48xi32>
    %swap3A_183 = vector.shape_cast %reduce_sum3A_178 : vector<48xi32> to vector<1x1x48xi32>
    tpu.vector_store %arg3[%swap3A, %swap3A_179, %swap3A_180], %swap3A_183 {strides = array<i32>} : memref<1x1x432xi32, #tpu.memory_space<vmem>>, vector<1x1x48xi32>,
    %iota3A_184 = tpu.iota {dimensions = array<i32: 0>} : vector<48x576xi32>
    %add3A_185 = arith.constant 48 : i32
    %add3A_186 = vector.broadcast %add3A_185 : i32 to vector<48x576xi32>
    %add3A_187 = arith.addi %iota3A_184, %add3A_186 : vector<48x576xi32>
    %eq3A_188 = vector.broadcast %convert_element_type3A_170 : vector<1x576xi32> to vector<48x576xi32>
    %eq3A_189 = arith.cmpi eq, %eq3A_188, %add3A_187 : vector<48x576xi32>
    %jit3A_190 = arith.constant 0 : i32
    %broadcast_in_dim3A_191 = vector.broadcast %jit3A_190 : i32 to vector<48x576xi32>
    %select_n3A_192 = arith.select %eq3A_189, %iota3A, %broadcast_in_dim3A_191 : vector<48x576xi1>, vector<48x576xi32>
    %reduce_sum3A_193 = arith.constant dense<0> : vector<48xi32>
    %reduce_sum3A_194 = vector.multi_reduction <add>, %select_n3A_192, %reduce_sum3A_193 [1] : vector<48x576xi32> to vector<48xi32>
    %swap3A_195 = arith.constant 0 : index
    %swap3A_196 = arith.constant 0 : index
    %swap3A_197 = arith.constant 48 : index
    %swap3A_198 = vector.load %arg3[%swap3A_195, %swap3A_196, %swap3A_197] : memref<1x1x432xi32, #tpu.memory_space<vmem>>, vector<1x1x48xi32>
    %swap3A_199 = vector.shape_cast %swap3A_198 : vector<1x1x48xi32> to vector<48xi32>
    %swap3A_200 = vector.shape_cast %reduce_sum3A_194 : vector<48xi32> to vector<1x1x48xi32>
    tpu.vector_store %arg3[%swap3A_195, %swap3A_196, %swap3A_197], %swap3A_200 {strides = array<i32>} : memref<1x1x432xi32, #tpu.memory_space<vmem>>, vector<1x1x48xi32>,
    %iota3A_201 = tpu.iota {dimensions = array<i32: 0>} : vector<48x576xi32>
    %add3A_202 = arith.constant 96 : i32
    %add3A_203 = vector.broadcast %add3A_202 : i32 to vector<48x576xi32>
    %add3A_204 = arith.addi %iota3A_201, %add3A_203 : vector<48x576xi32>
    %eq3A_205 = vector.broadcast %convert_element_type3A_170 : vector<1x576xi32> to vector<48x576xi32>
    %eq3A_206 = arith.cmpi eq, %eq3A_205, %add3A_204 : vector<48x576xi32>
    %jit3A_207 = arith.constant 0 : i32
    %broadcast_in_dim3A_208 = vector.broadcast %jit3A_207 : i32 to vector<48x576xi32>
    %select_n3A_209 = arith.select %eq3A_206, %iota3A, %broadcast_in_dim3A_208 : vector<48x576xi1>, vector<48x576xi32>
    %reduce_sum3A_210 = arith.constant dense<0> : vector<48xi32>
    %reduce_sum3A_211 = vector.multi_reduction <add>, %select_n3A_209, %reduce_sum3A_210 [1] : vector<48x576xi32> to vector<48xi32>
    %swap3A_212 = arith.constant 0 : index
    %swap3A_213 = arith.constant 0 : index
    %swap3A_214 = arith.constant 96 : index
    %swap3A_215 = vector.load %arg3[%swap3A_212, %swap3A_213, %swap3A_214] : memref<1x1x432xi32, #tpu.memory_space<vmem>>, vector<1x1x48xi32>
    %swap3A_216 = vector.shape_cast %swap3A_215 : vector<1x1x48xi32> to vector<48xi32>
    %swap3A_217 = vector.shape_cast %reduce_sum3A_211 : vector<48xi32> to vector<1x1x48xi32>
    tpu.vector_store %arg3[%swap3A_212, %swap3A_213, %swap3A_214], %swap3A_217 {strides = array<i32>} : memref<1x1x432xi32, #tpu.memory_space<vmem>>, vector<1x1x48xi32>,
    %iota3A_218 = tpu.iota {dimensions = array<i32: 0>} : vector<48x576xi32>
    %add3A_219 = arith.constant 144 : i32
    %add3A_220 = vector.broadcast %add3A_219 : i32 to vector<48x576xi32>
    %add3A_221 = arith.addi %iota3A_218, %add3A_220 : vector<48x576xi32>
    %eq3A_222 = vector.broadcast %convert_element_type3A_170 : vector<1x576xi32> to vector<48x576xi32>
    %eq3A_223 = arith.cmpi eq, %eq3A_222, %add3A_221 : vector<48x576xi32>
    %jit3A_224 = arith.constant 0 : i32
    %broadcast_in_dim3A_225 = vector.broadcast %jit3A_224 : i32 to vector<48x576xi32>
    %select_n3A_226 = arith.select %eq3A_223, %iota3A, %broadcast_in_dim3A_225 : vector<48x576xi1>, vector<48x576xi32>
    %reduce_sum3A_227 = arith.constant dense<0> : vector<48xi32>
    %reduce_sum3A_228 = vector.multi_reduction <add>, %select_n3A_226, %reduce_sum3A_227 [1] : vector<48x576xi32> to vector<48xi32>
    %swap3A_229 = arith.constant 0 : index
    %swap3A_230 = arith.constant 0 : index
    %swap3A_231 = arith.constant 144 : index
    %swap3A_232 = vector.load %arg3[%swap3A_229, %swap3A_230, %swap3A_231] : memref<1x1x432xi32, #tpu.memory_space<vmem>>, vector<1x1x48xi32>
    %swap3A_233 = vector.shape_cast %swap3A_232 : vector<1x1x48xi32> to vector<48xi32>
    %swap3A_234 = vector.shape_cast %reduce_sum3A_228 : vector<48xi32> to vector<1x1x48xi32>
    tpu.vector_store %arg3[%swap3A_229, %swap3A_230, %swap3A_231], %swap3A_234 {strides = array<i32>} : memref<1x1x432xi32, #tpu.memory_space<vmem>>, vector<1x1x48xi32>,
    %iota3A_235 = tpu.iota {dimensions = array<i32: 0>} : vector<48x576xi32>
    %add3A_236 = arith.constant 192 : i32
    %add3A_237 = vector.broadcast %add3A_236 : i32 to vector<48x576xi32>
    %add3A_238 = arith.addi %iota3A_235, %add3A_237 : vector<48x576xi32>
    %eq3A_239 = vector.broadcast %convert_element_type3A_170 : vector<1x576xi32> to vector<48x576xi32>
    %eq3A_240 = arith.cmpi eq, %eq3A_239, %add3A_238 : vector<48x576xi32>
    %jit3A_241 = arith.constant 0 : i32
    %broadcast_in_dim3A_242 = vector.broadcast %jit3A_241 : i32 to vector<48x576xi32>
    %select_n3A_243 = arith.select %eq3A_240, %iota3A, %broadcast_in_dim3A_242 : vector<48x576xi1>, vector<48x576xi32>
    %reduce_sum3A_244 = arith.constant dense<0> : vector<48xi32>
    %reduce_sum3A_245 = vector.multi_reduction <add>, %select_n3A_243, %reduce_sum3A_244 [1] : vector<48x576xi32> to vector<48xi32>
    %swap3A_246 = arith.constant 0 : index
    %swap3A_247 = arith.constant 0 : index
    %swap3A_248 = arith.constant 192 : index
    %swap3A_249 = vector.load %arg3[%swap3A_246, %swap3A_247, %swap3A_248] : memref<1x1x432xi32, #tpu.memory_space<vmem>>, vector<1x1x48xi32>
    %swap3A_250 = vector.shape_cast %swap3A_249 : vector<1x1x48xi32> to vector<48xi32>
    %swap3A_251 = vector.shape_cast %reduce_sum3A_245 : vector<48xi32> to vector<1x1x48xi32>
    tpu.vector_store %arg3[%swap3A_246, %swap3A_247, %swap3A_248], %swap3A_251 {strides = array<i32>} : memref<1x1x432xi32, #tpu.memory_space<vmem>>, vector<1x1x48xi32>,
    %iota3A_252 = tpu.iota {dimensions = array<i32: 0>} : vector<48x576xi32>
    %add3A_253 = arith.constant 240 : i32
    %add3A_254 = vector.broadcast %add3A_253 : i32 to vector<48x576xi32>
    %add3A_255 = arith.addi %iota3A_252, %add3A_254 : vector<48x576xi32>
    %eq3A_256 = vector.broadcast %convert_element_type3A_170 : vector<1x576xi32> to vector<48x576xi32>
    %eq3A_257 = arith.cmpi eq, %eq3A_256, %add3A_255 : vector<48x576xi32>
    %jit3A_258 = arith.constant 0 : i32
    %broadcast_in_dim3A_259 = vector.broadcast %jit3A_258 : i32 to vector<48x576xi32>
    %select_n3A_260 = arith.select %eq3A_257, %iota3A, %broadcast_in_dim3A_259 : vector<48x576xi1>, vector<48x576xi32>
    %reduce_sum3A_261 = arith.constant dense<0> : vector<48xi32>
    %reduce_sum3A_262 = vector.multi_reduction <add>, %select_n3A_260, %reduce_sum3A_261 [1] : vector<48x576xi32> to vector<48xi32>
    %swap3A_263 = arith.constant 0 : index
    %swap3A_264 = arith.constant 0 : index
    %swap3A_265 = arith.constant 240 : index
    %swap3A_266 = vector.load %arg3[%swap3A_263, %swap3A_264, %swap3A_265] : memref<1x1x432xi32, #tpu.memory_space<vmem>>, vector<1x1x48xi32>
    %swap3A_267 = vector.shape_cast %swap3A_266 : vector<1x1x48xi32> to vector<48xi32>
    %swap3A_268 = vector.shape_cast %reduce_sum3A_262 : vector<48xi32> to vector<1x1x48xi32>
    tpu.vector_store %arg3[%swap3A_263, %swap3A_264, %swap3A_265], %swap3A_268 {strides = array<i32>} : memref<1x1x432xi32, #tpu.memory_space<vmem>>, vector<1x1x48xi32>,
    %iota3A_269 = tpu.iota {dimensions = array<i32: 0>} : vector<48x576xi32>
    %add3A_270 = arith.constant 288 : i32
    %add3A_271 = vector.broadcast %add3A_270 : i32 to vector<48x576xi32>
    %add3A_272 = arith.addi %iota3A_269, %add3A_271 : vector<48x576xi32>
    %eq3A_273 = vector.broadcast %convert_element_type3A_170 : vector<1x576xi32> to vector<48x576xi32>
    %eq3A_274 = arith.cmpi eq, %eq3A_273, %add3A_272 : vector<48x576xi32>
    %jit3A_275 = arith.constant 0 : i32
    %broadcast_in_dim3A_276 = vector.broadcast %jit3A_275 : i32 to vector<48x576xi32>
    %select_n3A_277 = arith.select %eq3A_274, %iota3A, %broadcast_in_dim3A_276 : vector<48x576xi1>, vector<48x576xi32>
    %reduce_sum3A_278 = arith.constant dense<0> : vector<48xi32>
    %reduce_sum3A_279 = vector.multi_reduction <add>, %select_n3A_277, %reduce_sum3A_278 [1] : vector<48x576xi32> to vector<48xi32>
    %swap3A_280 = arith.constant 0 : index
    %swap3A_281 = arith.constant 0 : index
    %swap3A_282 = arith.constant 288 : index
    %swap3A_283 = vector.load %arg3[%swap3A_280, %swap3A_281, %swap3A_282] : memref<1x1x432xi32, #tpu.memory_space<vmem>>, vector<1x1x48xi32>
    %swap3A_284 = vector.shape_cast %swap3A_283 : vector<1x1x48xi32> to vector<48xi32>
    %swap3A_285 = vector.shape_cast %reduce_sum3A_279 : vector<48xi32> to vector<1x1x48xi32>
    tpu.vector_store %arg3[%swap3A_280, %swap3A_281, %swap3A_282], %swap3A_285 {strides = array<i32>} : memref<1x1x432xi32, #tpu.memory_space<vmem>>, vector<1x1x48xi32>,
    %iota3A_286 = tpu.iota {dimensions = array<i32: 0>} : vector<48x576xi32>
    %add3A_287 = arith.constant 336 : i32
    %add3A_288 = vector.broadcast %add3A_287 : i32 to vector<48x576xi32>
    %add3A_289 = arith.addi %iota3A_286, %add3A_288 : vector<48x576xi32>
    %eq3A_290 = vector.broadcast %convert_element_type3A_170 : vector<1x576xi32> to vector<48x576xi32>
    %eq3A_291 = arith.cmpi eq, %eq3A_290, %add3A_289 : vector<48x576xi32>
    %jit3A_292 = arith.constant 0 : i32
    %broadcast_in_dim3A_293 = vector.broadcast %jit3A_292 : i32 to vector<48x576xi32>
    %select_n3A_294 = arith.select %eq3A_291, %iota3A, %broadcast_in_dim3A_293 : vector<48x576xi1>, vector<48x576xi32>
    %reduce_sum3A_295 = arith.constant dense<0> : vector<48xi32>
    %reduce_sum3A_296 = vector.multi_reduction <add>, %select_n3A_294, %reduce_sum3A_295 [1] : vector<48x576xi32> to vector<48xi32>
    %swap3A_297 = arith.constant 0 : index
    %swap3A_298 = arith.constant 0 : index
    %swap3A_299 = arith.constant 336 : index
    %swap3A_300 = vector.load %arg3[%swap3A_297, %swap3A_298, %swap3A_299] : memref<1x1x432xi32, #tpu.memory_space<vmem>>, vector<1x1x48xi32>
    %swap3A_301 = vector.shape_cast %swap3A_300 : vector<1x1x48xi32> to vector<48xi32>
    %swap3A_302 = vector.shape_cast %reduce_sum3A_296 : vector<48xi32> to vector<1x1x48xi32>
    tpu.vector_store %arg3[%swap3A_297, %swap3A_298, %swap3A_299], %swap3A_302 {strides = array<i32>} : memref<1x1x432xi32, #tpu.memory_space<vmem>>, vector<1x1x48xi32>,
    %iota3A_303 = tpu.iota {dimensions = array<i32: 0>} : vector<48x576xi32>
    %add3A_304 = arith.constant 384 : i32
    %add3A_305 = vector.broadcast %add3A_304 : i32 to vector<48x576xi32>
    %add3A_306 = arith.addi %iota3A_303, %add3A_305 : vector<48x576xi32>
    %eq3A_307 = vector.broadcast %convert_element_type3A_170 : vector<1x576xi32> to vector<48x576xi32>
    %eq3A_308 = arith.cmpi eq, %eq3A_307, %add3A_306 : vector<48x576xi32>
    %jit3A_309 = arith.constant 0 : i32
    %broadcast_in_dim3A_310 = vector.broadcast %jit3A_309 : i32 to vector<48x576xi32>
    %select_n3A_311 = arith.select %eq3A_308, %iota3A, %broadcast_in_dim3A_310 : vector<48x576xi1>, vector<48x576xi32>
    %reduce_sum3A_312 = arith.constant dense<0> : vector<48xi32>
    %reduce_sum3A_313 = vector.multi_reduction <add>, %select_n3A_311, %reduce_sum3A_312 [1] : vector<48x576xi32> to vector<48xi32>
    %swap3A_314 = arith.constant 0 : index
    %swap3A_315 = arith.constant 0 : index
    %swap3A_316 = arith.constant 384 : index
    %swap3A_317 = vector.load %arg3[%swap3A_314, %swap3A_315, %swap3A_316] : memref<1x1x432xi32, #tpu.memory_space<vmem>>, vector<1x1x48xi32>
    %swap3A_318 = vector.shape_cast %swap3A_317 : vector<1x1x48xi32> to vector<48xi32>
    %swap3A_319 = vector.shape_cast %reduce_sum3A_313 : vector<48xi32> to vector<1x1x48xi32>
    tpu.vector_store %arg3[%swap3A_314, %swap3A_315, %swap3A_316], %swap3A_319 {strides = array<i32>} : memref<1x1x432xi32, #tpu.memory_space<vmem>>, vector<1x1x48xi32>,
    %mul3A = arith.constant 576 : i32
    %mul3A_320 = arith.muli %arg0, %mul3A : i32
    %iota3A_321 = tpu.iota {dimensions = array<i32: 0>} : vector<48x576xi32>
    %add3A_322 = arith.constant 432 : i32
    %add3A_323 = vector.broadcast %add3A_322 : i32 to vector<48x576xi32>
    %add3A_324 = arith.addi %iota3A_321, %add3A_323 : vector<48x576xi32>
    %add3A_325 = arith.constant 0 : i32
    %add3A_326 = vector.broadcast %add3A_325 : i32 to vector<48x576xi32>
    %add3A_327 = arith.addi %add3A_324, %add3A_326 : vector<48x576xi32>
    %eq3A_328 = vector.broadcast %convert_element_type3A_170 : vector<1x576xi32> to vector<48x576xi32>
    %eq3A_329 = arith.cmpi eq, %eq3A_328, %add3A_327 : vector<48x576xi32>
    %jit3A_330 = arith.constant 0 : i32
    %broadcast_in_dim3A_331 = vector.broadcast %jit3A_330 : i32 to vector<48x576xi32>
    %select_n3A_332 = arith.select %eq3A_329, %iota3A, %broadcast_in_dim3A_331 : vector<48x576xi1>, vector<48x576xi32>
    %reduce_sum3A_333 = arith.constant dense<0> : vector<48xi32>
    %reduce_sum3A_334 = vector.multi_reduction <add>, %select_n3A_332, %reduce_sum3A_333 [1] : vector<48x576xi32> to vector<48xi32>
    %add3A_335 = vector.broadcast %mul3A_320 : i32 to vector<48xi32>
    %add3A_336 = arith.addi %reduce_sum3A_334, %add3A_335 : vector<48xi32>
    %swap3A_337 = arith.constant 0 : index
    %swap3A_338 = arith.constant 0 : index
    %swap3A_339 = arith.constant 0 : index
    %swap3A_340 = vector.load %arg4[%swap3A_337, %swap3A_338, %swap3A_339] : memref<1x1x144xi32, #tpu.memory_space<vmem>>, vector<1x1x48xi32>
    %swap3A_341 = vector.shape_cast %swap3A_340 : vector<1x1x48xi32> to vector<48xi32>
    %swap3A_342 = vector.shape_cast %add3A_336 : vector<48xi32> to vector<1x1x48xi32>
    tpu.vector_store %arg4[%swap3A_337, %swap3A_338, %swap3A_339], %swap3A_342 {strides = array<i32>} : memref<1x1x144xi32, #tpu.memory_space<vmem>>, vector<1x1x48xi32>,
    %iota3A_343 = tpu.iota {dimensions = array<i32: 0>} : vector<48x576xi32>
    %add3A_344 = arith.constant 432 : i32
    %add3A_345 = vector.broadcast %add3A_344 : i32 to vector<48x576xi32>
    %add3A_346 = arith.addi %iota3A_343, %add3A_345 : vector<48x576xi32>
    %add3A_347 = arith.constant 48 : i32
    %add3A_348 = vector.broadcast %add3A_347 : i32 to vector<48x576xi32>
    %add3A_349 = arith.addi %add3A_346, %add3A_348 : vector<48x576xi32>
    %eq3A_350 = vector.broadcast %convert_element_type3A_170 : vector<1x576xi32> to vector<48x576xi32>
    %eq3A_351 = arith.cmpi eq, %eq3A_350, %add3A_349 : vector<48x576xi32>
    %jit3A_352 = arith.constant 0 : i32
    %broadcast_in_dim3A_353 = vector.broadcast %jit3A_352 : i32 to vector<48x576xi32>
    %select_n3A_354 = arith.select %eq3A_351, %iota3A, %broadcast_in_dim3A_353 : vector<48x576xi1>, vector<48x576xi32>
    %reduce_sum3A_355 = arith.constant dense<0> : vector<48xi32>
    %reduce_sum3A_356 = vector.multi_reduction <add>, %select_n3A_354, %reduce_sum3A_355 [1] : vector<48x576xi32> to vector<48xi32>
    %add3A_357 = vector.broadcast %mul3A_320 : i32 to vector<48xi32>
    %add3A_358 = arith.addi %reduce_sum3A_356, %add3A_357 : vector<48xi32>
    %swap3A_359 = arith.constant 0 : index
    %swap3A_360 = arith.constant 0 : index
    %swap3A_361 = arith.constant 48 : index
    %swap3A_362 = vector.load %arg4[%swap3A_359, %swap3A_360, %swap3A_361] : memref<1x1x144xi32, #tpu.memory_space<vmem>>, vector<1x1x48xi32>
    %swap3A_363 = vector.shape_cast %swap3A_362 : vector<1x1x48xi32> to vector<48xi32>
    %swap3A_364 = vector.shape_cast %add3A_358 : vector<48xi32> to vector<1x1x48xi32>
    tpu.vector_store %arg4[%swap3A_359, %swap3A_360, %swap3A_361], %swap3A_364 {strides = array<i32>} : memref<1x1x144xi32, #tpu.memory_space<vmem>>, vector<1x1x48xi32>,
    %iota3A_365 = tpu.iota {dimensions = array<i32: 0>} : vector<48x576xi32>
    %add3A_366 = arith.constant 432 : i32
    %add3A_367 = vector.broadcast %add3A_366 : i32 to vector<48x576xi32>
    %add3A_368 = arith.addi %iota3A_365, %add3A_367 : vector<48x576xi32>
    %add3A_369 = arith.constant 96 : i32
    %add3A_370 = vector.broadcast %add3A_369 : i32 to vector<48x576xi32>
    %add3A_371 = arith.addi %add3A_368, %add3A_370 : vector<48x576xi32>
    %eq3A_372 = vector.broadcast %convert_element_type3A_170 : vector<1x576xi32> to vector<48x576xi32>
    %eq3A_373 = arith.cmpi eq, %eq3A_372, %add3A_371 : vector<48x576xi32>
    %jit3A_374 = arith.constant 0 : i32
    %broadcast_in_dim3A_375 = vector.broadcast %jit3A_374 : i32 to vector<48x576xi32>
    %select_n3A_376 = arith.select %eq3A_373, %iota3A, %broadcast_in_dim3A_375 : vector<48x576xi1>, vector<48x576xi32>
    %reduce_sum3A_377 = arith.constant dense<0> : vector<48xi32>
    %reduce_sum3A_378 = vector.multi_reduction <add>, %select_n3A_376, %reduce_sum3A_377 [1] : vector<48x576xi32> to vector<48xi32>
    %add3A_379 = vector.broadcast %mul3A_320 : i32 to vector<48xi32>
    %add3A_380 = arith.addi %reduce_sum3A_378, %add3A_379 : vector<48xi32>
    %swap3A_381 = arith.constant 0 : index
    %swap3A_382 = arith.constant 0 : index
    %swap3A_383 = arith.constant 96 : index
    %swap3A_384 = vector.load %arg4[%swap3A_381, %swap3A_382, %swap3A_383] : memref<1x1x144xi32, #tpu.memory_space<vmem>>, vector<1x1x48xi32>
    %swap3A_385 = vector.shape_cast %swap3A_384 : vector<1x1x48xi32> to vector<48xi32>
    %swap3A_386 = vector.shape_cast %add3A_380 : vector<48xi32> to vector<1x1x48xi32>
    tpu.vector_store %arg4[%swap3A_381, %swap3A_382, %swap3A_383], %swap3A_386 {strides = array<i32>} : memref<1x1x144xi32, #tpu.memory_space<vmem>>, vector<1x1x48xi32>,
    return
  }
  func.func @transform_0(%arg0: i32) -> (i32, i32, i32) {
    %c0_i32 = arith.constant 0 : i32
    %c0_i32_0 = arith.constant 0 : i32
    %c0_i32_1 = arith.constant 0 : i32
    return %arg0, %c0_i32, %c0_i32_0 : i32, i32, i32
  }
  func.func @transform_1(%arg0: i32) -> (i32, i32, i32) {
    %c0_i32 = arith.constant 0 : i32
    %c0_i32_0 = arith.constant 0 : i32
    %c0_i32_1 = arith.constant 0 : i32
    return %arg0, %c0_i32, %c0_i32_0 : i32, i32, i32
  }
  func.func @transform_2(%arg0: i32) -> (i32, i32, i32) {
    %c0_i32 = arith.constant 0 : i32
    %c0_i32_0 = arith.constant 0 : i32
    %c0_i32_1 = arith.constant 0 : i32
    return %arg0, %c0_i32, %c0_i32_0 : i32, i32, i32
  }
  func.func @transform_3(%arg0: i32) -> (i32, i32, i32) {
    %c0_i32 = arith.constant 0 : i32
    %c0_i32_0 = arith.constant 0 : i32
    %c0_i32_1 = arith.constant 0 : i32
    return %arg0, %c0_i32, %c0_i32_0 : i32, i32, i32
  }
}

</mosaic_0001>

<sc_bundles>
// kernel: kernel.4.cloned.1.call-start
scs
__scs_entry_jumppad:
0x0: {  	(pc) =	sbr.rel $0x88, $3  }
0x1: {  	(tag) =	ssettag $0x0;
	lr =	simm.s32 $0x1  }
0x2: {  	[smem:$0x3F9F] =	sst lr;
	_ =	strace $0xD0000000  }
0x3: {  	_ = 	snop  }
0x4: {  	_ = 	snop  }
0x5: {  	_ = 	snop  }
0x6: {  	_ = 	snop  }
0x7: {  	_ = 	snop  }
__scs_overlays_trampoline_lowered:
0x8: {  	[smem:$0x3FAE] =	sst s0  }
0x9: {  	[smem:$0x3FAF] =	sst s1  }
0xa: {  	[smem:$0x3FB0] =	sst s2  }
0xb: {  	[smem:$0x3FB1] =	sst s3  }
0xc: {  	[smem:$0x3FB2] =	sst s4  }
0xd: {  	[smem:$0x3FB3] =	sst s5  }
0xe: {  	[smem:$0x3FB4] =	sst s6  }
0xf: {  	[smem:$0x3FB5] =	sst s7  }
0x10: {  	[smem:$0x3FB6] =	sst s8  }
0x11: {  	[smem:$0x3FB7] =	sst s9;
	s0 =	simm.s32 @!p0 $0x0  }
0x12: {  	s1 =	sld [smem:$0x3F9D];
	s0 =	simm.s32 @p0 $0x1  }
0x13: {  	[smem:$0x3FB8] =	sst s0;
	s0 =	simm.s32 @!p1 $0x0  }
0x14: {  	s2 =	sld [smem:$0x3F9C];
	s0 =	simm.s32 @p1 $0x1  }
0x15: {  	[smem:$0x3FB9] =	sst s0;
	s0 =	simm.s32 @!p2 $0x0  }
0x16: {  	s3 =	sld [smem:$0x3FDB];
	s0 =	simm.s32 @p2 $0x1  }
0x17: {  	s4 =	simm.s32 $0x1BF5;
	[smem:$0x3FBB] =	sst s0  }
0x18: {  	s0 =	sld [smem:$0x3F9E];
	_ =	swait.ge [sflag:s4], $0x0  }
0x19: {  	s7 =	sld [smem:$0x3F9F]  }
0x1a: {  	s8 =	sadd.s32 $0xFFFFE003, lr  }
0x1b: {  	s9 =	sadd.s32 $0xFFFFFEF7, lr;
	s5 =	simm.s32 $0xFFFFFFFF;
	p2 =	slt.u32 s8, $0xFFFFF086  }
0x1c: {  	p1 =	slt.u32 s9, $0xF7A;
	s5 =	simm.s32 @!p2 $0x0  }
0x1d: {  	s5 =	simm.s32 @p1 $0x1;
	p0 =	seq.s32 s7, s2  }
0x1e: {  	s7 =	smul.u32 @!p0 $0xF7A, s2;
	p2 =	seq.s32 @!p0 s5, $0x0  }
0x1f: {  	s9 =	smul.u32 $0xF7A, s1;
	s8 =	simm.s32 @!p0 $0x1BF5;
	p2 =	por !p2, p0  }
0x20: {  	[sflag:s8] =	ssyncset.s32 @!p0 $0xFFFFF086;
	s6 =	sadd.s32 @!p0 s3, s7;
	s7 =	simm.s32 @!p0 $0x108  }
0x21: {  	s3 =	sadd.s32 s3, s9;
	s6 =	sadd.s32 @!p0 $0x88, s6;
	s7 =	simm.s32 @p2 $0x1082  }
0x22: {  	[simem:s7], [sflag:s8] =	dma.local @!p0 [hbm:s6], $0xF7A  }
0x23: {  	s9 =	sor.u32 $0xD0000000, s2;
	s6 =	simm.s32 $0x108;
	_ =	swait.ge @!p0 [sflag:s8], $0x0  }
0x24: {  	s3 =	sadd.s32 $0x88, s3;
	s6 =	simm.s32 @!p1 $0x1082;
	[sflag:s4] =	ssyncset.s32 $0xFFFFF086  }
0x25: {  	[simem:s6], [sflag:s4] =	dma.local [hbm:s3], $0xF7A  }
0x26: {  	[smem:$0x3F9F] =	sst s1;
	(tag) =	ssettag s2;
	_ =	strace s9  }
0x27: {  	s1 =	sld [smem:$0x3FAF]  }
0x28: {  	s2 =	sld [smem:$0x3FB0]  }
0x29: {  	s4 =	sld [smem:$0x3FB2]  }
0x2a: {  	p0 =	seq.s32 s5, $0x0;
	s5 =	sld [smem:$0x3FB3]  }
0x2b: {  	s6 =	sld [smem:$0x3FB4]  }
0x2c: {  	s7 =	sld [smem:$0x3FB5]  }
0x2d: {  	s3 =	simm.s32 $0x108;
	s8 =	sld [smem:$0x3FB6]  }
0x2e: {  	s3 =	simm.s32 @!p0 $0x1082;
	s9 =	sld [smem:$0x3FB7]  }
0x2f: {  	lr =	sadd.s32 s0, s3;
	s0 =	sld [smem:$0x3FAE]  }
0x30: {  	s3 =	sld [smem:$0x3FB1]  }
0x31: {  	[smem:$0x3FBA] =	sst s10  }
0x32: {  	s10 =	sld [smem:$0x3FB8];
	_ =	sdelay $0x3  }
0x33: {  	p0 =	seq.s32 s10, $0x1;
	s10 =	sld [smem:$0x3FBA];
	_ =	sdelay $0x3  }
0x34: {  	[smem:$0x3FBA] =	sst s10  }
0x35: {  	s10 =	sld [smem:$0x3FB9];
	_ =	sdelay $0x3  }
0x36: {  	p1 =	seq.s32 s10, $0x1;
	s10 =	sld [smem:$0x3FBA];
	_ =	sdelay $0x3  }
0x37: {  	[smem:$0x3FBA] =	sst s10  }
0x38: {  	s10 =	sld [smem:$0x3FBB]  }
0x39: {  	_ = 	snop;
	(pc) =	sbr.ind lr, $3  }
0x3a: {  	_ = 	snop  }
0x3b: {  	_ = 	snop  }
0x3c: {  	p2 =	seq.s32 s10, $0x1;
	s10 =	sld [smem:$0x3FBA]  }
0x3d: {  	_ =	shalt  }
0x3e: {  	_ =	shalt  }
0x3f: {  	_ =	shalt  }
0x40: {  	_ =	shalt  }
0x41: {  	_ =	shalt  }
0x42: {  	_ =	shalt  }
0x43: {  	_ =	shalt  }
0x44: {  	_ =	shalt  }
0x45: {  	_ =	shalt  }
0x46: {  	_ =	shalt  }
0x47: {  	_ =	shalt  }
0x48: {  	_ =	shalt  }
0x49: {  	_ =	shalt  }
0x4a: {  	_ =	shalt  }
0x4b: {  	_ =	shalt  }
0x4c: {  	_ =	shalt  }
0x4d: {  	_ =	shalt  }
0x4e: {  	_ =	shalt  }
0x4f: {  	_ =	shalt  }
0x50: {  	_ =	shalt  }
0x51: {  	_ =	shalt  }
0x52: {  	_ =	shalt  }
0x53: {  	_ =	shalt  }
0x54: {  	_ =	shalt  }
0x55: {  	_ =	shalt  }
0x56: {  	_ =	shalt  }
0x57: {  	_ =	shalt  }
0x58: {  	_ =	shalt  }
0x59: {  	_ =	shalt  }
0x5a: {  	_ =	shalt  }
0x5b: {  	_ =	shalt  }
0x5c: {  	_ =	shalt  }
0x5d: {  	_ =	shalt  }
0x5e: {  	_ =	shalt  }
0x5f: {  	_ =	shalt  }
0x60: {  	_ =	shalt  }
0x61: {  	_ =	shalt  }
0x62: {  	_ =	shalt  }
0x63: {  	_ =	shalt  }
0x64: {  	_ =	shalt  }
0x65: {  	_ =	shalt  }
0x66: {  	_ =	shalt  }
0x67: {  	_ =	shalt  }
0x68: {  	_ =	shalt  }
0x69: {  	_ =	shalt  }
0x6a: {  	_ =	shalt  }
0x6b: {  	_ =	shalt  }
0x6c: {  	_ =	shalt  }
0x6d: {  	_ =	shalt  }
0x6e: {  	_ =	shalt  }
0x6f: {  	_ =	shalt  }
0x70: {  	_ =	shalt  }
0x71: {  	_ =	shalt  }
0x72: {  	_ =	shalt  }
0x73: {  	_ =	shalt  }
0x74: {  	_ =	shalt  }
0x75: {  	_ =	shalt  }
0x76: {  	_ =	shalt  }
0x77: {  	_ =	shalt  }
0x78: {  	_ =	shalt  }
0x79: {  	_ =	shalt  }
0x7a: {  	_ =	shalt  }
0x7b: {  	_ =	shalt  }
0x7c: {  	_ =	shalt  }
0x7d: {  	_ =	shalt  }
0x7e: {  	_ =	shalt  }
0x7f: {  	_ =	shalt  }
0x80: {  	_ =	shalt  }
0x81: {  	_ =	shalt  }
0x82: {  	_ =	shalt  }
0x83: {  	_ =	shalt  }
0x84: {  	_ =	shalt  }
0x85: {  	_ =	shalt  }
0x86: {  	_ =	shalt  }
0x87: {  	_ =	shalt  }
.Lfunc_end0:
.L_simem_size_0:
called_computation_lowered:
.L_overlay_start_0:
0x88: {  	s2 =	sld [smem:$0x3FD9]  }
0x89: {  	s3 =	sld [smem:$0x3FFE];
	_ =	sdelay $0x1  }
0x8a: {  	s1 =	srdreg.scid  }
0x8b: {  	s0 =	sand.u32 $0x1, s1  }
0x8c: {  	s14 =	sshll.u32 s0, $0xA;
	s2 =	sadd.s32 s3, s2  }
0x8d: {  	s2 =	sadd.s32 s2, s14  }
0x8e: {  	[smem:$0x3FC6] =	sst s2  }
0x8f: {  	_ = 	snop  }
0x90: {  	s2 =	sld [smem:$0x3FD0];
	_ =	sdelay $0x1  }
0x91: {  	s15 =	sld [smem:$0x3FC9]  }
0x92: {  	s5 =	simm.s32 $0xA;
	s6 =	simm.s32 $0x10;
	s4 =	sld [smem:$0x3FC8]  }
0x93: {  	[smem:s6], [sflag:s5] =	dma.local [hbm:s2], $0x1  }
0x94: {  	_ =	swait.eq [sflag:s5], $0x1  }
0x95: {  	[sflag:s5] =	ssyncset.done $0x0  }
0x96: {  	[sflag:s5] =	ssyncadd.s32 $0xFFFFFFFF  }
0x97: {  	s16 =	sld [smem:$0x10];
	(tm) =	ssettm $0x1  }
0x98: {  	s17 =	sld [smem:$0x3FFB];
	_ =	sdelay $0x3  }
0x99: {  	_ =	strace s17  }
0x9a: {  	s5 =	sld [smem:$0x3FFC];
	_ =	sdelay $0x3  }
0x9b: {  	_ =	strace s5  }
0x9c: {  	s5 =	sld [smem:$0x3FFD];
	_ =	sdelay $0x3  }
0x9d: {  	_ =	strace s5  }
0x9e: {  	_ =	strace $0x8FFFFFFF  }
0x9f: {  	s18 =	sld [smem:$0x3FDB];
	_ =	sdelay $0x1  }
0xa0: {  	s19 =	simm.s32 $_scs_section_size  }
0xa1: {  	s7 =	simm.s32 $_size__tile_overlayer_lowered;
	s8 =	simm.s32 $_tile_overlayer_lowered  }
0xa2: {  	s22 =	simm.s32 $0x1BFF;
	s21 =	sshll.u32 s8, $0x1;
	s5 =	sadd.s32 s19, s18  }
0xa3: {  	s9 =	simm.s32 $0x0;
	s20 =	sshll.u32 s7, $0x1;
	s7 =	sadd.s32 s21, s5  }
0xa4: {  	[timem:s9], [sflag:s22] =	dma.local [hbm:s7], s20  }
0xa5: {  	_ =	swait.ge [sflag:s22], s20  }
0xa6: {  	s6 =	ssub.s32 $0x0, s20;
	[sflag:s22] =	ssyncset.done $0x0  }
0xa7: {  	[sflag:s22] =	ssyncadd.s32 s6;
	_ =	sdelay $0x1  }
0xa8: {  	s23 =	simm.s32 $0x1B8B  }
0xa9: {  	_ =	swait.ge [sflag:s23], $0x1  }
0xaa: {  	[sflag:s23] =	ssyncset.done $0x0  }
0xab: {  	s25 =	simm.s32 $0x1B8E;
	s24 =	sld [smem:$0x3FFE];
	[sflag:s23] =	ssyncadd.s32 $0xFFFFFFFF  }
0xac: {  	s26 =	simm.s32 $execute0_lowered;
	[smem:$0x3FD2] =	sst s25  }
0xad: {  	s7 =	sshll.u32 s26, $0x1;
	_ =	strace $0x80000046;
	[dreg:$0x1] =	wrdreg $0xFFFFFFFF  }
0xae: {  	s28 =	simm.s32 $_size_execute0_lowered;
	s5 =	sadd.s32 s5, s7;
	[dreg:$0x0] =	wrdreg $0x0  }
0xaf: {  	s7 =	sshll.u32 s28, $0x1;
	[dreg:$0x2] =	wrdreg s5  }
0xb0: {  	[dreg:$0x3] =	wrdreg s7  }
0xb1: {  	[dreg:$0x4] =	wrdreg $0xC0  }
0xb2: {  	_ =	task [dreg:s9], $0x5FFFF  }
0xb3: {  	[dreg:$0x1] =	wrdreg $0xFFFFFFFF  }
0xb4: {  	[dreg:$0x0] =	wrdreg $0x60  }
0xb5: {  	[dreg:$0x2] =	wrdreg s15  }
0xb6: {  	[dreg:$0x3] =	wrdreg s24  }
0xb7: {  	[dreg:$0x4] =	wrdreg s4  }
0xb8: {  	[dreg:$0x5] =	wrdreg s16  }
0xb9: {  	[dreg:$0x6] =	wrdreg $0x9  }
0xba: {  	_ =	task.clear_ibuf [dreg:s9], $0x7FFFF;
	_ =	strace $0x90000046  }
0xbb: {  	s29 =	simm.s32 $0x9;
	_ =	strace $0x80000048  }
0xbc: {  	_ =	swait.ge [sflag:s29], $0x1  }
0xbd: {  	[sflag:s29] =	ssyncadd.s32 $0xFFFFFFFF  }
0xbe: {  	_ =	strace $0x90000048  }
0xbf: {  	_ =	sfence  }
0xc0: {  	s30 =	sld [smem:$0x0];
	_ =	sdelay $0x2  }
0xc1: {  	s31 =	sshll.u32 s1, $0xD;
	s1 =	sshrl.u32 s1, $0x2  }
0xc2: {  	s3 =	sand.u32 $0x4000, s31;
	s1 =	sadd.s32 s1, s30  }
0xc3: {  	s0 =	sor.u32 s3, s0;
	s1 =	sshll.u32 s1, $0x11  }
0xc4: {  	s0 =	sor.u32 s1, s0  }
0xc5: {  	s0 =	sadd.s32 $0x8F2B, s0  }
0xc6: {  	[sflag:s0] =	ssyncadd.remote.s32 $0x1  }
0xc7: {  	_ =	sfence.sel $0xFFFF  }
0xc8: {  	[dreg:$0x0] =	wrdreg $0xFFFFFFFF;
	(pc) =	sbr.abs _section_cstart, $3  }
0xc9: {  	[dreg:$0x1] =	wrdreg $0xFFFFFFFF  }
0xca: {  	_ =	task.clear_ibuf [dreg:s9], $0x2FFFF;
	_ =	strace $0x9FFFFFFF  }
0xcb: {  	(tm) =	ssettm $0x7FFFFFFF  }
tec
execute0_lowered:
.L_overlay_start_1:
0x0: {  	(tag) =	ssettag $0x1  }
0x1: {  	s0 =	srdreg.scid;
	s1 =	stileid.u32  }
0x2: {  	s0 =	sand.u32 $0x1, s0;
	s2 =	sshll.u32 s1, $0x1  }
0x3: {  	s5 =	rddreg [dreg:$0x1];
	s2 =	sor.u32 s0, s2  }
0x4: {  	s3 =	rddreg [dreg:$0x2];
	s4 =	smul.u32 $0x480, s2  }
0x5: {  	s6 =	rddreg [dreg:$0x3];
	s2 =	smul.u32 $0x24, s2  }
0x6: {  	s1 =	rddreg [dreg:$0x0];
	s7 =	sshrl.u32 s4, $0x3  }
0x7: {  	s4 =	simm.s32 $0x0;
	s2 =	sadd.s32 s2, s5;
	s8 =	smul.u32 $0x300, s7  }
0x8: {  	[smem:$0x7FF] =	sst s4;
	s2 =	sadd.s32 $0x1600, s2  }
0x9: {  	_ =	strace $0x80000047;
	[dreg:$0x5] =	wrdreg s2;
	s8 =	sadd.s32 s6, s8  }
0xa: {  	s26 =	sadd.s32 $0x3600, s8;
	[smem:$0x7EF] =	sst s8  }
0xb: {  	s5 =	sadd.s32 $0x4800, s8;
	[dreg:$0x6] =	wrdreg s26  }
0xc: {  	s9 =	sadd.s32 $0x5A00, s8;
	[dreg:$0x7] =	wrdreg s5  }
0xd: {  	s10 =	sadd.s32 $0x6C00, s8;
	[dreg:$0x8] =	wrdreg s9  }
0xe: {  	s11 =	sadd.s32 $0x7E00, s8;
	[dreg:$0x9] =	wrdreg s10  }
0xf: {  	s12 =	sadd.s32 $0x9000, s8;
	[dreg:$0xa] =	wrdreg s11  }
0x10: {  	s13 =	sadd.s32 $0xA200, s8;
	[dreg:$0xb] =	wrdreg s12  }
0x11: {  	s14 =	sadd.s32 $0xB400, s8;
	[dreg:$0xc] =	wrdreg s13  }
0x12: {  	s15 =	sadd.s32 $0xC600, s8;
	[dreg:$0xd] =	wrdreg s14  }
0x13: {  	s16 =	sadd.s32 $0x10E00, s8;
	[dreg:$0xe] =	wrdreg s15  }
0x14: {  	s17 =	sadd.s32 $0x12000, s8;
	[dreg:$0xf] =	wrdreg s16  }
0x15: {  	s18 =	sadd.s32 $0x13200, s8;
	[dreg:$0x10] =	wrdreg s17  }
0x16: {  	s19 =	sadd.s32 $0x14400, s8;
	[dreg:$0x11] =	wrdreg s18  }
0x17: {  	s20 =	sadd.s32 $0x15600, s8;
	[dreg:$0x12] =	wrdreg s19  }
0x18: {  	s21 =	sadd.s32 $0x16800, s8;
	[dreg:$0x13] =	wrdreg s20  }
0x19: {  	s23 =	sadd.s32 $0x17A00, s8;
	[dreg:$0x14] =	wrdreg s21  }
0x1a: {  	s24 =	sadd.s32 $0x18C00, s8;
	[dreg:$0x15] =	wrdreg s23  }
0x1b: {  	s25 =	sadd.s32 $0x19E00, s8;
	[dreg:$0x16] =	wrdreg s24  }
0x1c: {  	s22 =	smul.u32 $0x1800, s7;
	s7 =	sadd.s32 $0xEA00, s8;
	[dreg:$0x17] =	wrdreg s25  }
0x1d: {  	[dreg:$0x1b] =	wrdreg s7;
	s9 =	simm.s32 $0x12980  }
0x1e: {  	s10 =	simm.s32 $0x13180;
	[dreg:$0x1d] =	wrdreg s9  }
0x1f: {  	s11 =	simm.s32 $0x13980;
	[dreg:$0x1e] =	wrdreg s10  }
0x20: {  	s12 =	simm.s32 $0x14180;
	[dreg:$0x1f] =	wrdreg s11  }
0x21: {  	s13 =	simm.s32 $0x14980;
	[smem:$0x7F0] =	sst s12  }
0x22: {  	s28 =	simm.s32 $0x6180;
	s14 =	simm.s32 $0x15180;
	[smem:$0x7F1] =	sst s13  }
0x23: {  	s29 =	simm.s32 $0x6980;
	s15 =	simm.s32 $0x15980;
	[smem:$0x7F2] =	sst s14  }
0x24: {  	s30 =	simm.s32 $0x7180;
	s16 =	simm.s32 $0x16180;
	[smem:$0x7F3] =	sst s15  }
0x25: {  	s31 =	simm.s32 $0x7980;
	s17 =	simm.s32 $0x16980;
	[smem:$0x7F4] =	sst s16  }
0x26: {  	s0 =	ssub.s32 $0x2, s0;
	s18 =	simm.s32 $0x17180;
	[smem:$0x7F5] =	sst s17  }
0x27: {  	s5 =	sshrl.u32 s22, $0x3;
	s20 =	simm.s32 $0x17980;
	[smem:$0x7F6] =	sst s18  }
0x28: {  	s19 =	sshrl.u32 s0, $0x1;
	s21 =	simm.s32 $0x18180;
	[smem:$0x7F7] =	sst s20  }
0x29: {  	s22 =	simm.s32 $0x18980;
	s7 =	sadd.s32 $0x40, s3;
	[smem:$0x7F8] =	sst s21  }
0x2a: {  	s23 =	simm.s32 $0x19180;
	s24 =	simm.s32 $0x19980;
	[smem:$0x7F9] =	sst s22  }
0x2b: {  	s25 =	simm.s32 $0x1A180;
	s5 =	sadd.s32 s6, s5;
	[smem:$0x7FA] =	sst s23  }
0x2c: {  	s6 =	sadd.s32 $0xD800, s8;
	s8 =	sadd.s32 $0xFC00, s8;
	[smem:$0x7FB] =	sst s24  }
0x2d: {  	s0 =	ssub.s32 s0, s19;
	s9 =	sadd.s32 $0x200, s1;
	[smem:$0x7FC] =	sst s25  }
0x2e: {  	s11 =	simm.s32 $0x12180;
	s12 =	simm.s32 $0x4;
	s13 =	simm.s32 $0x3  }
0x2f: {  	s14 =	simm.s32 $0x1;
	s17 =	simm.s32 $0x1180;
	s18 =	simm.s32 $0x1980  }
0x30: {  	s19 =	simm.s32 $0x2180;
	s20 =	simm.s32 $0x2980;
	s21 =	simm.s32 $0x3180  }
0x31: {  	v3 =	vlaneseq.u32;
	s22 =	simm.s32 $0x3980;
	s23 =	simm.s32 $0x4180;
	s24 =	simm.s32 $0x4980  }
0x32: {  	v1 =	vimm.s32 $0x0;
	v0 =	vand.u32 $0x7, v3;
	s25 =	simm.s32 $0x5180;
	s26 =	sadd.s32 $0x1200, s5;
	[dreg:$0x1a] =	wrdreg s6  }
0x33: {  	v2 =	vor.u32 $0x8, v3;
	v4 =	vperm.xlane v1, v0;
	s5 =	sadd.s32 $0x2400, s5;
	[dreg:$0x1c] =	wrdreg s8;
	s6 =	sadd.s32 $0x20, s3  }
0x34: {  	v3 =	vshrl.u32 v3, $0x3;
	v5 =	vperm.xlane v1, v2;
	s8 =	sadd.s32 $0x100, s1;
	s10 =	smax.u32 s0, $0x1;
	[dreg:$0x18] =	wrdreg s26  }
0x35: {  	v4 =	vadd.s32 v3, v4;
	s0 =	simm.s32 $0x180;
	[dreg:$0x19] =	wrdreg s5;
	s26 =	simm.s32 $0x1A980  }
0x36: {  	vm0 =	vmmov $0xffff;
	v6 =	vmul.u32 $0x8, v3;
	v5 =	vadd.s32 v3, v5;
	s5 =	simm.s32 $0x2;
	[smem:$0x7FD] =	sst s26;
	s26 =	simm.s32 $0x5980  }
.LBB2_1:
0x37: {  	[tilespmem:$0x1B180] =	vst v1  }
0x38: {  	[tilespmem:$0x1B190] =	vst v1;
	s15 =	rddreg [dreg:$0x1d]  }
0x39: {  	[tilespmem:$0x1B1A0] =	vst v1;
	s3 =	rddreg [dreg:$0x2]  }
0x3a: {  	[tilespmem:s11], [sflag:$0x3] =	stream.indirect_vreg.gather [hbm4b:s3+s4], $0x80, v4, vm0, $0xb8;
	[tilespmem:$0x1B200] =	vst v63  }
0x3b: {  	s16 =	rddreg [dreg:$0x1e]  }
0x3c: {  	[tilespmem:s15], [sflag:$0x3] =	stream.indirect_vreg.gather [hbm4b:s6+s4], $0x80, v4, vm0, $0xb8;
	[tilespmem:$0x1B200] =	vst v63  }
0x3d: {  	s2 =	rddreg [dreg:$0x1f]  }
0x3e: {  	[tilespmem:s16], [sflag:$0x3] =	stream.indirect_vreg.gather [hbm4b:s7+s4], $0x80, v4, vm0, $0xb8;
	[tilespmem:$0x1B200] =	vst v63  }
0x3f: {  	s16 =	sld [smem:$0x7F0]  }
0x40: {  	[tilespmem:s2], [sflag:$0x3] =	stream.indirect_vreg.gather [hbm4b:s3+s4], $0x80, v5, vm0, $0xb8;
	[tilespmem:$0x1B200] =	vst v63  }
0x41: {  	s2 =	sld [smem:$0x7F1]  }
0x42: {  	[tilespmem:s16], [sflag:$0x3] =	stream.indirect_vreg.gather [hbm4b:s6+s4], $0x80, v5, vm0, $0xb8;
	[tilespmem:$0x1B200] =	vst v63  }
0x43: {  	_ = 	snop  }
0x44: {  	[tilespmem:s2], [sflag:$0x3] =	stream.indirect_vreg.gather [hbm4b:s7+s4], $0x80, v5, vm0, $0xb8;
	[tilespmem:$0x1B200] =	vst v63  }
0x45: {  	v7 =	vld [tilespmem:$0x1B190];
	_ =	sdelay $0x4  }
0x46: {  	v7 =	vmul.u32 $0x6, v7;
	_ =	sdelay $0x1  }
0x47: {  	v8 =	vperm.xlane v7, v0;
	_ =	sdelay $0x1  }
0x48: {  	v8 =	vadd.s32 v3, v8;
	_ =	sdelay $0x1  }
0x49: {  	s16 =	sld [smem:$0x7F2];
	_ =	sdelay $0x1  }
0x4a: {  	s2 =	sld [smem:$0x7F3];
	v7 =	vperm.xlane v7, v2  }
0x4b: {  	[tilespmem:s16], [sflag:$0x3] =	stream.indirect_vreg.gather [hbm4b:s3+s4], $0x80, v8, vm0, $0xb8;
	[tilespmem:$0x1B200] =	vst v63  }
0x4c: {  	s15 =	sld [smem:$0x7F4];
	v7 =	vadd.s32 v3, v7  }
0x4d: {  	[tilespmem:s2], [sflag:$0x3] =	stream.indirect_vreg.gather [hbm4b:s6+s4], $0x80, v8, vm0, $0xb8;
	[tilespmem:$0x1B200] =	vst v63  }
0x4e: {  	s2 =	sld [smem:$0x7F5]  }
0x4f: {  	[tilespmem:s15], [sflag:$0x3] =	stream.indirect_vreg.gather [hbm4b:s7+s4], $0x80, v8, vm0, $0xb8;
	[tilespmem:$0x1B200] =	vst v63  }
0x50: {  	s15 =	sld [smem:$0x7F6]  }
0x51: {  	[tilespmem:s2], [sflag:$0x3] =	stream.indirect_vreg.gather [hbm4b:s3+s4], $0x80, v7, vm0, $0xb8;
	[tilespmem:$0x1B200] =	vst v63  }
0x52: {  	s2 =	sld [smem:$0x7F7]  }
0x53: {  	[tilespmem:s15], [sflag:$0x3] =	stream.indirect_vreg.gather [hbm4b:s6+s4], $0x80, v7, vm0, $0xb8;
	[tilespmem:$0x1B200] =	vst v63  }
0x54: {  	_ = 	snop  }
0x55: {  	[tilespmem:s2], [sflag:$0x3] =	stream.indirect_vreg.gather [hbm4b:s7+s4], $0x80, v7, vm0, $0xb8;
	[tilespmem:$0x1B200] =	vst v63  }
0x56: {  	v7 =	vld [tilespmem:$0x1B1A0];
	_ =	sdelay $0x4  }
0x57: {  	v7 =	vmul.u32 $0x6, v7;
	_ =	sdelay $0x1  }
0x58: {  	v8 =	vperm.xlane v7, v0;
	_ =	sdelay $0x1  }
0x59: {  	v8 =	vadd.s32 v3, v8;
	_ =	sdelay $0x1  }
0x5a: {  	s16 =	sld [smem:$0x7F8];
	_ =	sdelay $0x1  }
0x5b: {  	s2 =	sld [smem:$0x7F9];
	v7 =	vperm.xlane v7, v2  }
0x5c: {  	[tilespmem:s16], [sflag:$0x3] =	stream.indirect_vreg.gather [hbm4b:s3+s4], $0x80, v8, vm0, $0xb8;
	[tilespmem:$0x1B200] =	vst v63  }
0x5d: {  	s15 =	sld [smem:$0x7FA];
	v7 =	vadd.s32 v3, v7  }
0x5e: {  	[tilespmem:s2], [sflag:$0x3] =	stream.indirect_vreg.gather [hbm4b:s6+s4], $0x80, v8, vm0, $0xb8;
	[tilespmem:$0x1B200] =	vst v63  }
0x5f: {  	s2 =	sld [smem:$0x7FB]  }
0x60: {  	[tilespmem:s15], [sflag:$0x3] =	stream.indirect_vreg.gather [hbm4b:s7+s4], $0x80, v8, vm0, $0xb8;
	[tilespmem:$0x1B200] =	vst v63  }
0x61: {  	s15 =	sld [smem:$0x7FC]  }
0x62: {  	[tilespmem:s2], [sflag:$0x3] =	stream.indirect_vreg.gather [hbm4b:s3+s4], $0x80, v7, vm0, $0xb8;
	[tilespmem:$0x1B200] =	vst v63  }
0x63: {  	s2 =	sld [smem:$0x7FD]  }
0x64: {  	[tilespmem:s15], [sflag:$0x3] =	stream.indirect_vreg.gather [hbm4b:s6+s4], $0x80, v7, vm0, $0xb8;
	[tilespmem:$0x1B200] =	vst v63  }
0x65: {  	_ = 	snop  }
0x66: {  	[tilespmem:s2], [sflag:$0x3] =	stream.indirect_vreg.gather [hbm4b:s7+s4], $0x80, v7, vm0, $0xb8;
	[tilespmem:$0x1B200] =	vst v63  }
0x67: {  	s3 =	rddreg [dreg:$0x5]  }
0x68: {  	[tilespmem:s4], [sflag:$0x4] =	stream.linear.gather [hbm4b:s3+s4], $0x120, $0x38;
	[tilespmem:$0x1B200] =	vst v63  }
0x69: {  	_ =	swait.ge [sflag:s12], $0x120  }
0x6a: {  	[sflag:s12] =	ssyncset.done $0x0  }
0x6b: {  	[sflag:s12] =	ssyncadd.s32 $0xFFFFFEE0  }
0x6c: {  	_ =	swait.ge [sflag:s13], $0x9000  }
0x6d: {  	[sflag:s13] =	ssyncset.done $0x0  }
0x6e: {  	s2 =	rddreg [dreg:$0x6];
	[sflag:s13] =	ssyncadd.s32 $0xFFFF7000  }
0x6f: {  	[hbm4b:s2+s4] =	stream.linear.scatter [tilespmem:s11], [sflag:$0x3], $0x9000, $0x38;
	[tilespmem:$0x1B200] =	vst v63  }
0x70: {  	s3 =	rddreg [dreg:$0x7]  }
0x71: {  	[hbm4b:s3+s4] =	stream.linear.scatter [tilespmem:s11], [sflag:$0x3], $0x9000, $0x38;
	[tilespmem:$0x1B200] =	vst v63  }
0x72: {  	s2 =	rddreg [dreg:$0x8]  }
0x73: {  	[hbm4b:s2+s4] =	stream.linear.scatter [tilespmem:s11], [sflag:$0x3], $0x9000, $0x38;
	[tilespmem:$0x1B200] =	vst v63  }
0x74: {  	s3 =	rddreg [dreg:$0x9]  }
0x75: {  	[hbm4b:s3+s4] =	stream.linear.scatter [tilespmem:s11], [sflag:$0x3], $0x9000, $0x38;
	[tilespmem:$0x1B200] =	vst v63  }
0x76: {  	s2 =	rddreg [dreg:$0xa]  }
0x77: {  	[hbm4b:s2+s4] =	stream.linear.scatter [tilespmem:s11], [sflag:$0x3], $0x9000, $0x38;
	[tilespmem:$0x1B200] =	vst v63  }
0x78: {  	s3 =	rddreg [dreg:$0xb]  }
0x79: {  	[hbm4b:s3+s4] =	stream.linear.scatter [tilespmem:s11], [sflag:$0x3], $0x9000, $0x38;
	[tilespmem:$0x1B200] =	vst v63  }
0x7a: {  	s2 =	rddreg [dreg:$0xc]  }
0x7b: {  	[hbm4b:s2+s4] =	stream.linear.scatter [tilespmem:s11], [sflag:$0x3], $0x9000, $0x38;
	[tilespmem:$0x1B200] =	vst v63  }
0x7c: {  	s3 =	rddreg [dreg:$0xd]  }
0x7d: {  	[hbm4b:s3+s4] =	stream.linear.scatter [tilespmem:s11], [sflag:$0x3], $0x9000, $0x38;
	[tilespmem:$0x1B200] =	vst v63  }
0x7e: {  	s2 =	rddreg [dreg:$0xe]  }
0x7f: {  	[hbm4b:s2+s4] =	stream.linear.scatter [tilespmem:s11], [sflag:$0x3], $0x9000, $0x38;
	[tilespmem:$0x1B200] =	vst v63  }
0x80: {  	s3 =	rddreg [dreg:$0xf]  }
0x81: {  	[hbm4b:s3+s4] =	stream.linear.scatter [tilespmem:s11], [sflag:$0x3], $0x9000, $0x38;
	[tilespmem:$0x1B200] =	vst v63  }
0x82: {  	s2 =	rddreg [dreg:$0x10]  }
0x83: {  	[hbm4b:s2+s4] =	stream.linear.scatter [tilespmem:s11], [sflag:$0x3], $0x9000, $0x38;
	[tilespmem:$0x1B200] =	vst v63  }
0x84: {  	s3 =	rddreg [dreg:$0x11]  }
0x85: {  	[hbm4b:s3+s4] =	stream.linear.scatter [tilespmem:s11], [sflag:$0x3], $0x9000, $0x38;
	[tilespmem:$0x1B200] =	vst v63  }
0x86: {  	s2 =	rddreg [dreg:$0x12]  }
0x87: {  	[hbm4b:s2+s4] =	stream.linear.scatter [tilespmem:s11], [sflag:$0x3], $0x9000, $0x38;
	[tilespmem:$0x1B200] =	vst v63  }
0x88: {  	s3 =	rddreg [dreg:$0x13]  }
0x89: {  	[hbm4b:s3+s4] =	stream.linear.scatter [tilespmem:s11], [sflag:$0x3], $0x9000, $0x38;
	[tilespmem:$0x1B200] =	vst v63  }
0x8a: {  	s2 =	rddreg [dreg:$0x14]  }
0x8b: {  	[hbm4b:s2+s4] =	stream.linear.scatter [tilespmem:s11], [sflag:$0x3], $0x9000, $0x38;
	[tilespmem:$0x1B200] =	vst v63  }
0x8c: {  	s3 =	rddreg [dreg:$0x15]  }
0x8d: {  	[hbm4b:s3+s4] =	stream.linear.scatter [tilespmem:s11], [sflag:$0x3], $0x9000, $0x38;
	[tilespmem:$0x1B200] =	vst v63  }
0x8e: {  	s2 =	rddreg [dreg:$0x16]  }
0x8f: {  	[hbm4b:s2+s4] =	stream.linear.scatter [tilespmem:s11], [sflag:$0x3], $0x9000, $0x38;
	[tilespmem:$0x1B200] =	vst v63  }
0x90: {  	s3 =	rddreg [dreg:$0x17]  }
0x91: {  	[hbm4b:s3+s4] =	stream.linear.scatter [tilespmem:s11], [sflag:$0x3], $0x9000, $0x38;
	[tilespmem:$0x1B200] =	vst v63  }
0x92: {  	v7 =	vld [tilespmem:$0x0];
	_ =	sdelay $0x4  }
0x93: {  	v8 =	vshrl.u32 v7, $0x3  }
0x94: {  	v8 =	vmul.u32 $0x30, v8  }
0x95: {  	v7 =	vand.u32 $0x7, v7  }
0x96: {  	v7 =	vor.u32 v7, v8  }
0x97: {  	v8 =	vperm.xlane v7, v0;
	_ =	sdelay $0x1  }
0x98: {  	v8 =	vadd.s32 v6, v8;
	_ =	sdelay $0x3  }
0x99: {  	v7 =	vperm.xlane v7, v2  }
0x9a: {  	[tilespmem:s0], [sflag:$0x1] =	stream.indirect_vreg.gather [hbm4b:s1+s4], $0x80, v8, vm0, $0xb8;
	[tilespmem:$0x1B200] =	vst v63  }
0x9b: {  	s16 =	simm.s32 $0x980;
	v7 =	vadd.s32 v6, v7  }
0x9c: {  	[tilespmem:s16], [sflag:$0x1] =	stream.indirect_vreg.gather [hbm4b:s8+s4], $0x80, v8, vm0, $0xb8;
	[tilespmem:$0x1B200] =	vst v63  }
0x9d: {  	_ = 	snop  }
0x9e: {  	[tilespmem:s17], [sflag:$0x1] =	stream.indirect_vreg.gather [hbm4b:s9+s4], $0x80, v8, vm0, $0xb8;
	[tilespmem:$0x1B200] =	vst v63  }
0x9f: {  	_ = 	snop  }
0xa0: {  	[tilespmem:s18], [sflag:$0x1] =	stream.indirect_vreg.gather [hbm4b:s1+s4], $0x80, v7, vm0, $0xb8;
	[tilespmem:$0x1B200] =	vst v63  }
0xa1: {  	_ = 	snop  }
0xa2: {  	[tilespmem:s19], [sflag:$0x1] =	stream.indirect_vreg.gather [hbm4b:s8+s4], $0x80, v7, vm0, $0xb8;
	[tilespmem:$0x1B200] =	vst v63  }
0xa3: {  	_ = 	snop  }
0xa4: {  	[tilespmem:s20], [sflag:$0x1] =	stream.indirect_vreg.gather [hbm4b:s9+s4], $0x80, v7, vm0, $0xb8;
	[tilespmem:$0x1B200] =	vst v63  }
0xa5: {  	v7 =	vld [tilespmem:$0x10];
	_ =	sdelay $0x4  }
0xa6: {  	v8 =	vshrl.u32 v7, $0x3  }
0xa7: {  	v8 =	vmul.u32 $0x30, v8  }
0xa8: {  	v7 =	vand.u32 $0x7, v7  }
0xa9: {  	v7 =	vor.u32 v7, v8  }
0xaa: {  	v8 =	vperm.xlane v7, v0;
	_ =	sdelay $0x1  }
0xab: {  	v8 =	vadd.s32 v6, v8;
	_ =	sdelay $0x3  }
0xac: {  	v7 =	vperm.xlane v7, v2  }
0xad: {  	[tilespmem:s21], [sflag:$0x1] =	stream.indirect_vreg.gather [hbm4b:s1+s4], $0x80, v8, vm0, $0xb8;
	[tilespmem:$0x1B200] =	vst v63  }
0xae: {  	v7 =	vadd.s32 v6, v7  }
0xaf: {  	[tilespmem:s22], [sflag:$0x1] =	stream.indirect_vreg.gather [hbm4b:s8+s4], $0x80, v8, vm0, $0xb8;
	[tilespmem:$0x1B200] =	vst v63  }
0xb0: {  	_ = 	snop  }
0xb1: {  	[tilespmem:s23], [sflag:$0x1] =	stream.indirect_vreg.gather [hbm4b:s9+s4], $0x80, v8, vm0, $0xb8;
	[tilespmem:$0x1B200] =	vst v63  }
0xb2: {  	_ = 	snop  }
0xb3: {  	[tilespmem:s24], [sflag:$0x1] =	stream.indirect_vreg.gather [hbm4b:s1+s4], $0x80, v7, vm0, $0xb8;
	[tilespmem:$0x1B200] =	vst v63  }
0xb4: {  	_ = 	snop  }
0xb5: {  	[tilespmem:s25], [sflag:$0x1] =	stream.indirect_vreg.gather [hbm4b:s8+s4], $0x80, v7, vm0, $0xb8;
	[tilespmem:$0x1B200] =	vst v63  }
0xb6: {  	_ = 	snop  }
0xb7: {  	[tilespmem:s26], [sflag:$0x1] =	stream.indirect_vreg.gather [hbm4b:s9+s4], $0x80, v7, vm0, $0xb8;
	[tilespmem:$0x1B200] =	vst v63  }
0xb8: {  	v7 =	vld [tilespmem:$0x20];
	_ =	sdelay $0x4  }
0xb9: {  	v8 =	vshrl.u32 v7, $0x3  }
0xba: {  	v8 =	vmul.u32 $0x30, v8  }
0xbb: {  	v7 =	vand.u32 $0x7, v7  }
0xbc: {  	v7 =	vor.u32 v7, v8  }
0xbd: {  	v8 =	vperm.xlane v7, v0;
	_ =	sdelay $0x1  }
0xbe: {  	v8 =	vadd.s32 v6, v8;
	_ =	sdelay $0x3  }
0xbf: {  	v7 =	vperm.xlane v7, v2  }
0xc0: {  	[tilespmem:s28], [sflag:$0x1] =	stream.indirect_vreg.gather [hbm4b:s1+s4], $0x80, v8, vm0, $0xb8;
	[tilespmem:$0x1B200] =	vst v63  }
0xc1: {  	v7 =	vadd.s32 v6, v7  }
0xc2: {  	[tilespmem:s29], [sflag:$0x1] =	stream.indirect_vreg.gather [hbm4b:s8+s4], $0x80, v8, vm0, $0xb8;
	[tilespmem:$0x1B200] =	vst v63  }
0xc3: {  	_ = 	snop  }
0xc4: {  	[tilespmem:s30], [sflag:$0x1] =	stream.indirect_vreg.gather [hbm4b:s9+s4], $0x80, v8, vm0, $0xb8;
	[tilespmem:$0x1B200] =	vst v63  }
0xc5: {  	_ = 	snop  }
0xc6: {  	[tilespmem:s31], [sflag:$0x1] =	stream.indirect_vreg.gather [hbm4b:s1+s4], $0x80, v7, vm0, $0xb8;
	[tilespmem:$0x1B200] =	vst v63  }
0xc7: {  	s3 =	simm.s32 $0x8180  }
0xc8: {  	[tilespmem:s3], [sflag:$0x1] =	stream.indirect_vreg.gather [hbm4b:s8+s4], $0x80, v7, vm0, $0xb8;
	[tilespmem:$0x1B200] =	vst v63  }
0xc9: {  	s2 =	simm.s32 $0x8980  }
0xca: {  	[tilespmem:s2], [sflag:$0x1] =	stream.indirect_vreg.gather [hbm4b:s9+s4], $0x80, v7, vm0, $0xb8;
	[tilespmem:$0x1B200] =	vst v63  }
0xcb: {  	v7 =	vld [tilespmem:$0x30];
	_ =	sdelay $0x4  }
0xcc: {  	v8 =	vshrl.u32 v7, $0x3  }
0xcd: {  	v8 =	vmul.u32 $0x30, v8  }
0xce: {  	v7 =	vand.u32 $0x7, v7  }
0xcf: {  	v7 =	vor.u32 v7, v8  }
0xd0: {  	v8 =	vperm.xlane v7, v0;
	_ =	sdelay $0x1  }
0xd1: {  	v8 =	vadd.s32 v6, v8;
	_ =	sdelay $0x3  }
0xd2: {  	s2 =	simm.s32 $0x9180;
	v7 =	vperm.xlane v7, v2  }
0xd3: {  	[tilespmem:s2], [sflag:$0x2] =	stream.indirect_vreg.gather [hbm4b:s1+s4], $0x80, v8, vm0, $0xb8;
	[tilespmem:$0x1B200] =	vst v63  }
0xd4: {  	s15 =	simm.s32 $0x9980;
	v7 =	vadd.s32 v6, v7  }
0xd5: {  	[tilespmem:s15], [sflag:$0x2] =	stream.indirect_vreg.gather [hbm4b:s8+s4], $0x80, v8, vm0, $0xb8;
	[tilespmem:$0x1B200] =	vst v63  }
0xd6: {  	s15 =	simm.s32 $0xA180  }
0xd7: {  	[tilespmem:s15], [sflag:$0x2] =	stream.indirect_vreg.gather [hbm4b:s9+s4], $0x80, v8, vm0, $0xb8;
	[tilespmem:$0x1B200] =	vst v63  }
0xd8: {  	s15 =	simm.s32 $0xA980  }
0xd9: {  	[tilespmem:s15], [sflag:$0x2] =	stream.indirect_vreg.gather [hbm4b:s1+s4], $0x80, v7, vm0, $0xb8;
	[tilespmem:$0x1B200] =	vst v63  }
0xda: {  	s15 =	simm.s32 $0xB180  }
0xdb: {  	[tilespmem:s15], [sflag:$0x2] =	stream.indirect_vreg.gather [hbm4b:s8+s4], $0x80, v7, vm0, $0xb8;
	[tilespmem:$0x1B200] =	vst v63  }
0xdc: {  	s15 =	simm.s32 $0xB980  }
0xdd: {  	[tilespmem:s15], [sflag:$0x2] =	stream.indirect_vreg.gather [hbm4b:s9+s4], $0x80, v7, vm0, $0xb8;
	[tilespmem:$0x1B200] =	vst v63  }
0xde: {  	v7 =	vld [tilespmem:$0x40];
	_ =	sdelay $0x4  }
0xdf: {  	v8 =	vshrl.u32 v7, $0x3  }
0xe0: {  	v8 =	vmul.u32 $0x30, v8  }
0xe1: {  	v7 =	vand.u32 $0x7, v7  }
0xe2: {  	v7 =	vor.u32 v7, v8  }
0xe3: {  	v8 =	vperm.xlane v7, v0;
	_ =	sdelay $0x1  }
0xe4: {  	v8 =	vadd.s32 v6, v8;
	_ =	sdelay $0x3  }
0xe5: {  	s15 =	simm.s32 $0xC180;
	v7 =	vperm.xlane v7, v2  }
0xe6: {  	[tilespmem:s15], [sflag:$0x2] =	stream.indirect_vreg.gather [hbm4b:s1+s4], $0x80, v8, vm0, $0xb8;
	[tilespmem:$0x1B200] =	vst v63  }
0xe7: {  	v7 =	vadd.s32 v6, v7;
	s15 =	simm.s32 $0xC980  }
0xe8: {  	[tilespmem:s15], [sflag:$0x2] =	stream.indirect_vreg.gather [hbm4b:s8+s4], $0x80, v8, vm0, $0xb8;
	[tilespmem:$0x1B200] =	vst v63  }
0xe9: {  	s15 =	simm.s32 $0xD180  }
0xea: {  	[tilespmem:s15], [sflag:$0x2] =	stream.indirect_vreg.gather [hbm4b:s9+s4], $0x80, v8, vm0, $0xb8;
	[tilespmem:$0x1B200] =	vst v63  }
0xeb: {  	s15 =	simm.s32 $0xD980  }
0xec: {  	[tilespmem:s15], [sflag:$0x2] =	stream.indirect_vreg.gather [hbm4b:s1+s4], $0x80, v7, vm0, $0xb8;
	[tilespmem:$0x1B200] =	vst v63  }
0xed: {  	s15 =	simm.s32 $0xE180  }
0xee: {  	[tilespmem:s15], [sflag:$0x2] =	stream.indirect_vreg.gather [hbm4b:s8+s4], $0x80, v7, vm0, $0xb8;
	[tilespmem:$0x1B200] =	vst v63  }
0xef: {  	s15 =	simm.s32 $0xE980  }
0xf0: {  	[tilespmem:s15], [sflag:$0x2] =	stream.indirect_vreg.gather [hbm4b:s9+s4], $0x80, v7, vm0, $0xb8;
	[tilespmem:$0x1B200] =	vst v63  }
0xf1: {  	v7 =	vld [tilespmem:$0x50];
	_ =	sdelay $0x4  }
0xf2: {  	v8 =	vshrl.u32 v7, $0x3  }
0xf3: {  	v8 =	vmul.u32 $0x30, v8  }
0xf4: {  	v7 =	vand.u32 $0x7, v7  }
0xf5: {  	v7 =	vor.u32 v7, v8  }
0xf6: {  	v8 =	vperm.xlane v7, v0;
	_ =	sdelay $0x1  }
0xf7: {  	v8 =	vadd.s32 v6, v8;
	_ =	sdelay $0x3  }
0xf8: {  	s15 =	simm.s32 $0xF180;
	v7 =	vperm.xlane v7, v2  }
0xf9: {  	[tilespmem:s15], [sflag:$0x2] =	stream.indirect_vreg.gather [hbm4b:s1+s4], $0x80, v8, vm0, $0xb8;
	[tilespmem:$0x1B200] =	vst v63  }
0xfa: {  	v7 =	vadd.s32 v6, v7;
	s15 =	simm.s32 $0xF980  }
0xfb: {  	[tilespmem:s15], [sflag:$0x2] =	stream.indirect_vreg.gather [hbm4b:s8+s4], $0x80, v8, vm0, $0xb8;
	[tilespmem:$0x1B200] =	vst v63  }
0xfc: {  	s15 =	simm.s32 $0x10180  }
0xfd: {  	[tilespmem:s15], [sflag:$0x2] =	stream.indirect_vreg.gather [hbm4b:s9+s4], $0x80, v8, vm0, $0xb8;
	[tilespmem:$0x1B200] =	vst v63  }
0xfe: {  	s15 =	simm.s32 $0x10980  }
0xff: {  	[tilespmem:s15], [sflag:$0x2] =	stream.indirect_vreg.gather [hbm4b:s1+s4], $0x80, v7, vm0, $0xb8;
	[tilespmem:$0x1B200] =	vst v63  }
0x100: {  	s15 =	simm.s32 $0x11180  }
0x101: {  	[tilespmem:s15], [sflag:$0x2] =	stream.indirect_vreg.gather [hbm4b:s8+s4], $0x80, v7, vm0, $0xb8;
	[tilespmem:$0x1B200] =	vst v63  }
0x102: {  	s15 =	simm.s32 $0x11980  }
0x103: {  	[tilespmem:s15], [sflag:$0x2] =	stream.indirect_vreg.gather [hbm4b:s9+s4], $0x80, v7, vm0, $0xb8;
	[tilespmem:$0x1B200] =	vst v63  }
0x104: {  	_ =	swait.ge [sflag:s14], $0x9000  }
0x105: {  	s15 =	sld [smem:$0x7EF]  }
0x106: {  	[sflag:s14] =	ssyncset.done $0x0  }
0x107: {  	[sflag:s14] =	ssyncadd.s32 $0xFFFF7000  }
0x108: {  	[hbm4b:s15+s4] =	stream.linear.scatter [tilespmem:s0], [sflag:$0x4], $0x9000, $0x38;
	[tilespmem:$0x1B200] =	vst v63  }
0x109: {  	_ =	swait.ge [sflag:s12], $0x9000  }
0x10a: {  	[sflag:s12] =	ssyncset.done $0x0  }
0x10b: {  	[sflag:s12] =	ssyncadd.s32 $0xFFFF7000  }
0x10c: {  	v7 =	vld [tilespmem:$0x60];
	_ =	sdelay $0x4  }
0x10d: {  	v8 =	vshrl.u32 v7, $0x3  }
0x10e: {  	v8 =	vmul.u32 $0x30, v8  }
0x10f: {  	v7 =	vand.u32 $0x7, v7  }
0x110: {  	v7 =	vor.u32 v7, v8  }
0x111: {  	v8 =	vperm.xlane v7, v0;
	_ =	sdelay $0x1  }
0x112: {  	v8 =	vadd.s32 v6, v8;
	_ =	sdelay $0x3  }
0x113: {  	v7 =	vperm.xlane v7, v2  }
0x114: {  	[tilespmem:s0], [sflag:$0x1] =	stream.indirect_vreg.gather [hbm4b:s1+s4], $0x80, v8, vm0, $0xb8;
	[tilespmem:$0x1B200] =	vst v63  }
0x115: {  	v7 =	vadd.s32 v6, v7  }
0x116: {  	[tilespmem:s16], [sflag:$0x1] =	stream.indirect_vreg.gather [hbm4b:s8+s4], $0x80, v8, vm0, $0xb8;
	[tilespmem:$0x1B200] =	vst v63  }
0x117: {  	_ = 	snop  }
0x118: {  	[tilespmem:s17], [sflag:$0x1] =	stream.indirect_vreg.gather [hbm4b:s9+s4], $0x80, v8, vm0, $0xb8;
	[tilespmem:$0x1B200] =	vst v63  }
0x119: {  	_ = 	snop  }
0x11a: {  	[tilespmem:s18], [sflag:$0x1] =	stream.indirect_vreg.gather [hbm4b:s1+s4], $0x80, v7, vm0, $0xb8;
	[tilespmem:$0x1B200] =	vst v63  }
0x11b: {  	_ = 	snop  }
0x11c: {  	[tilespmem:s19], [sflag:$0x1] =	stream.indirect_vreg.gather [hbm4b:s8+s4], $0x80, v7, vm0, $0xb8;
	[tilespmem:$0x1B200] =	vst v63  }
0x11d: {  	_ = 	snop  }
0x11e: {  	[tilespmem:s20], [sflag:$0x1] =	stream.indirect_vreg.gather [hbm4b:s9+s4], $0x80, v7, vm0, $0xb8;
	[tilespmem:$0x1B200] =	vst v63  }
0x11f: {  	v7 =	vld [tilespmem:$0x70];
	_ =	sdelay $0x4  }
0x120: {  	v8 =	vshrl.u32 v7, $0x3  }
0x121: {  	v8 =	vmul.u32 $0x30, v8  }
0x122: {  	v7 =	vand.u32 $0x7, v7  }
0x123: {  	v7 =	vor.u32 v7, v8  }
0x124: {  	v8 =	vperm.xlane v7, v0;
	_ =	sdelay $0x1  }
0x125: {  	v8 =	vadd.s32 v6, v8;
	_ =	sdelay $0x3  }
0x126: {  	v7 =	vperm.xlane v7, v2  }
0x127: {  	[tilespmem:s21], [sflag:$0x1] =	stream.indirect_vreg.gather [hbm4b:s1+s4], $0x80, v8, vm0, $0xb8;
	[tilespmem:$0x1B200] =	vst v63  }
0x128: {  	v7 =	vadd.s32 v6, v7  }
0x129: {  	[tilespmem:s22], [sflag:$0x1] =	stream.indirect_vreg.gather [hbm4b:s8+s4], $0x80, v8, vm0, $0xb8;
	[tilespmem:$0x1B200] =	vst v63  }
0x12a: {  	_ = 	snop  }
0x12b: {  	[tilespmem:s23], [sflag:$0x1] =	stream.indirect_vreg.gather [hbm4b:s9+s4], $0x80, v8, vm0, $0xb8;
	[tilespmem:$0x1B200] =	vst v63  }
0x12c: {  	_ = 	snop  }
0x12d: {  	[tilespmem:s24], [sflag:$0x1] =	stream.indirect_vreg.gather [hbm4b:s1+s4], $0x80, v7, vm0, $0xb8;
	[tilespmem:$0x1B200] =	vst v63  }
0x12e: {  	_ = 	snop  }
0x12f: {  	[tilespmem:s25], [sflag:$0x1] =	stream.indirect_vreg.gather [hbm4b:s8+s4], $0x80, v7, vm0, $0xb8;
	[tilespmem:$0x1B200] =	vst v63  }
0x130: {  	_ = 	snop  }
0x131: {  	[tilespmem:s26], [sflag:$0x1] =	stream.indirect_vreg.gather [hbm4b:s9+s4], $0x80, v7, vm0, $0xb8;
	[tilespmem:$0x1B200] =	vst v63  }
0x132: {  	v7 =	vld [tilespmem:$0x80];
	_ =	sdelay $0x4  }
0x133: {  	v8 =	vshrl.u32 v7, $0x3  }
0x134: {  	v8 =	vmul.u32 $0x30, v8  }
0x135: {  	v7 =	vand.u32 $0x7, v7  }
0x136: {  	v7 =	vor.u32 v7, v8  }
0x137: {  	v8 =	vperm.xlane v7, v0;
	_ =	sdelay $0x1  }
0x138: {  	v8 =	vadd.s32 v6, v8;
	_ =	sdelay $0x3  }
0x139: {  	v7 =	vperm.xlane v7, v2  }
0x13a: {  	[tilespmem:s28], [sflag:$0x1] =	stream.indirect_vreg.gather [hbm4b:s1+s4], $0x80, v8, vm0, $0xb8;
	[tilespmem:$0x1B200] =	vst v63  }
0x13b: {  	v7 =	vadd.s32 v6, v7  }
0x13c: {  	[tilespmem:s29], [sflag:$0x1] =	stream.indirect_vreg.gather [hbm4b:s8+s4], $0x80, v8, vm0, $0xb8;
	[tilespmem:$0x1B200] =	vst v63  }
0x13d: {  	_ = 	snop  }
0x13e: {  	[tilespmem:s30], [sflag:$0x1] =	stream.indirect_vreg.gather [hbm4b:s9+s4], $0x80, v8, vm0, $0xb8;
	[tilespmem:$0x1B200] =	vst v63  }
0x13f: {  	_ = 	snop  }
0x140: {  	[tilespmem:s31], [sflag:$0x1] =	stream.indirect_vreg.gather [hbm4b:s1+s4], $0x80, v7, vm0, $0xb8;
	[tilespmem:$0x1B200] =	vst v63  }
0x141: {  	_ = 	snop  }
0x142: {  	[tilespmem:s3], [sflag:$0x1] =	stream.indirect_vreg.gather [hbm4b:s8+s4], $0x80, v7, vm0, $0xb8;
	[tilespmem:$0x1B200] =	vst v63  }
0x143: {  	s15 =	simm.s32 $0x8980  }
0x144: {  	[tilespmem:s15], [sflag:$0x1] =	stream.indirect_vreg.gather [hbm4b:s9+s4], $0x80, v7, vm0, $0xb8;
	[tilespmem:$0x1B200] =	vst v63  }
0x145: {  	_ =	swait.ge [sflag:s5], $0x9000  }
0x146: {  	[sflag:s5] =	ssyncset.done $0x0  }
0x147: {  	s15 =	rddreg [dreg:$0x18];
	[sflag:s5] =	ssyncadd.s32 $0xFFFF7000  }
0x148: {  	[hbm4b:s15+s4] =	stream.linear.scatter [tilespmem:s2], [sflag:$0x4], $0x9000, $0x38;
	[tilespmem:$0x1B200] =	vst v63  }
0x149: {  	_ =	swait.ge [sflag:s12], $0x9000  }
0x14a: {  	[sflag:s12] =	ssyncset.done $0x0  }
0x14b: {  	[sflag:s12] =	ssyncadd.s32 $0xFFFF7000  }
0x14c: {  	v7 =	vld [tilespmem:$0x90];
	_ =	sdelay $0x4  }
0x14d: {  	v8 =	vshrl.u32 v7, $0x3  }
0x14e: {  	v8 =	vmul.u32 $0x30, v8  }
0x14f: {  	v7 =	vand.u32 $0x7, v7  }
0x150: {  	v7 =	vor.u32 v7, v8  }
0x151: {  	v8 =	vperm.xlane v7, v0;
	_ =	sdelay $0x1  }
0x152: {  	v8 =	vadd.s32 v6, v8;
	_ =	sdelay $0x3  }
0x153: {  	v7 =	vperm.xlane v7, v2  }
0x154: {  	[tilespmem:s2], [sflag:$0x2] =	stream.indirect_vreg.gather [hbm4b:s1+s4], $0x80, v8, vm0, $0xb8;
	[tilespmem:$0x1B200] =	vst v63  }
0x155: {  	s15 =	simm.s32 $0x9980;
	v7 =	vadd.s32 v6, v7  }
0x156: {  	[tilespmem:s15], [sflag:$0x2] =	stream.indirect_vreg.gather [hbm4b:s8+s4], $0x80, v8, vm0, $0xb8;
	[tilespmem:$0x1B200] =	vst v63  }
0x157: {  	s15 =	simm.s32 $0xA180  }
0x158: {  	[tilespmem:s15], [sflag:$0x2] =	stream.indirect_vreg.gather [hbm4b:s9+s4], $0x80, v8, vm0, $0xb8;
	[tilespmem:$0x1B200] =	vst v63  }
0x159: {  	s15 =	simm.s32 $0xA980  }
0x15a: {  	[tilespmem:s15], [sflag:$0x2] =	stream.indirect_vreg.gather [hbm4b:s1+s4], $0x80, v7, vm0, $0xb8;
	[tilespmem:$0x1B200] =	vst v63  }
0x15b: {  	s15 =	simm.s32 $0xB180  }
0x15c: {  	[tilespmem:s15], [sflag:$0x2] =	stream.indirect_vreg.gather [hbm4b:s8+s4], $0x80, v7, vm0, $0xb8;
	[tilespmem:$0x1B200] =	vst v63  }
0x15d: {  	s15 =	simm.s32 $0xB980  }
0x15e: {  	[tilespmem:s15], [sflag:$0x2] =	stream.indirect_vreg.gather [hbm4b:s9+s4], $0x80, v7, vm0, $0xb8;
	[tilespmem:$0x1B200] =	vst v63  }
0x15f: {  	v7 =	vld [tilespmem:$0xA0];
	_ =	sdelay $0x4  }
0x160: {  	v8 =	vshrl.u32 v7, $0x3  }
0x161: {  	v8 =	vmul.u32 $0x30, v8  }
0x162: {  	v7 =	vand.u32 $0x7, v7  }
0x163: {  	v7 =	vor.u32 v7, v8  }
0x164: {  	v8 =	vperm.xlane v7, v0;
	_ =	sdelay $0x1  }
0x165: {  	v8 =	vadd.s32 v6, v8;
	_ =	sdelay $0x3  }
0x166: {  	s15 =	simm.s32 $0xC180;
	v7 =	vperm.xlane v7, v2  }
0x167: {  	[tilespmem:s15], [sflag:$0x2] =	stream.indirect_vreg.gather [hbm4b:s1+s4], $0x80, v8, vm0, $0xb8;
	[tilespmem:$0x1B200] =	vst v63  }
0x168: {  	v7 =	vadd.s32 v6, v7;
	s15 =	simm.s32 $0xC980  }
0x169: {  	[tilespmem:s15], [sflag:$0x2] =	stream.indirect_vreg.gather [hbm4b:s8+s4], $0x80, v8, vm0, $0xb8;
	[tilespmem:$0x1B200] =	vst v63  }
0x16a: {  	s15 =	simm.s32 $0xD180  }
0x16b: {  	[tilespmem:s15], [sflag:$0x2] =	stream.indirect_vreg.gather [hbm4b:s9+s4], $0x80, v8, vm0, $0xb8;
	[tilespmem:$0x1B200] =	vst v63  }
0x16c: {  	s15 =	simm.s32 $0xD980  }
0x16d: {  	[tilespmem:s15], [sflag:$0x2] =	stream.indirect_vreg.gather [hbm4b:s1+s4], $0x80, v7, vm0, $0xb8;
	[tilespmem:$0x1B200] =	vst v63  }
0x16e: {  	s15 =	simm.s32 $0xE180  }
0x16f: {  	[tilespmem:s15], [sflag:$0x2] =	stream.indirect_vreg.gather [hbm4b:s8+s4], $0x80, v7, vm0, $0xb8;
	[tilespmem:$0x1B200] =	vst v63  }
0x170: {  	s15 =	simm.s32 $0xE980  }
0x171: {  	[tilespmem:s15], [sflag:$0x2] =	stream.indirect_vreg.gather [hbm4b:s9+s4], $0x80, v7, vm0, $0xb8;
	[tilespmem:$0x1B200] =	vst v63  }
0x172: {  	v7 =	vld [tilespmem:$0xB0];
	_ =	sdelay $0x4  }
0x173: {  	v8 =	vshrl.u32 v7, $0x3  }
0x174: {  	v8 =	vmul.u32 $0x30, v8  }
0x175: {  	v7 =	vand.u32 $0x7, v7  }
0x176: {  	v7 =	vor.u32 v7, v8  }
0x177: {  	v8 =	vperm.xlane v7, v0;
	_ =	sdelay $0x1  }
0x178: {  	v8 =	vadd.s32 v6, v8;
	_ =	sdelay $0x3  }
0x179: {  	s15 =	simm.s32 $0xF180;
	v7 =	vperm.xlane v7, v2  }
0x17a: {  	[tilespmem:s15], [sflag:$0x2] =	stream.indirect_vreg.gather [hbm4b:s1+s4], $0x80, v8, vm0, $0xb8;
	[tilespmem:$0x1B200] =	vst v63  }
0x17b: {  	v7 =	vadd.s32 v6, v7;
	s15 =	simm.s32 $0xF980  }
0x17c: {  	[tilespmem:s15], [sflag:$0x2] =	stream.indirect_vreg.gather [hbm4b:s8+s4], $0x80, v8, vm0, $0xb8;
	[tilespmem:$0x1B200] =	vst v63  }
0x17d: {  	s15 =	simm.s32 $0x10180  }
0x17e: {  	[tilespmem:s15], [sflag:$0x2] =	stream.indirect_vreg.gather [hbm4b:s9+s4], $0x80, v8, vm0, $0xb8;
	[tilespmem:$0x1B200] =	vst v63  }
0x17f: {  	s15 =	simm.s32 $0x10980  }
0x180: {  	[tilespmem:s15], [sflag:$0x2] =	stream.indirect_vreg.gather [hbm4b:s1+s4], $0x80, v7, vm0, $0xb8;
	[tilespmem:$0x1B200] =	vst v63  }
0x181: {  	s15 =	simm.s32 $0x11180  }
0x182: {  	[tilespmem:s15], [sflag:$0x2] =	stream.indirect_vreg.gather [hbm4b:s8+s4], $0x80, v7, vm0, $0xb8;
	[tilespmem:$0x1B200] =	vst v63  }
0x183: {  	s15 =	simm.s32 $0x11980  }
0x184: {  	[tilespmem:s15], [sflag:$0x2] =	stream.indirect_vreg.gather [hbm4b:s9+s4], $0x80, v7, vm0, $0xb8;
	[tilespmem:$0x1B200] =	vst v63  }
0x185: {  	_ =	swait.ge [sflag:s14], $0x9000  }
0x186: {  	[sflag:s14] =	ssyncset.done $0x0  }
0x187: {  	s15 =	rddreg [dreg:$0x19];
	[sflag:s14] =	ssyncadd.s32 $0xFFFF7000  }
0x188: {  	[hbm4b:s15+s4] =	stream.linear.scatter [tilespmem:s0], [sflag:$0x4], $0x9000, $0x38;
	[tilespmem:$0x1B200] =	vst v63  }
0x189: {  	_ =	swait.ge [sflag:s12], $0x9000  }
0x18a: {  	[sflag:s12] =	ssyncset.done $0x0  }
0x18b: {  	[sflag:s12] =	ssyncadd.s32 $0xFFFF7000  }
0x18c: {  	v7 =	vld [tilespmem:$0xC0];
	_ =	sdelay $0x4  }
0x18d: {  	v8 =	vshrl.u32 v7, $0x3  }
0x18e: {  	v8 =	vmul.u32 $0x30, v8  }
0x18f: {  	v7 =	vand.u32 $0x7, v7  }
0x190: {  	v7 =	vor.u32 v7, v8  }
0x191: {  	v8 =	vperm.xlane v7, v0;
	_ =	sdelay $0x1  }
0x192: {  	v8 =	vadd.s32 v6, v8;
	_ =	sdelay $0x3  }
0x193: {  	v7 =	vperm.xlane v7, v2  }
0x194: {  	[tilespmem:s0], [sflag:$0x1] =	stream.indirect_vreg.gather [hbm4b:s1+s4], $0x80, v8, vm0, $0xb8;
	[tilespmem:$0x1B200] =	vst v63  }
0x195: {  	v7 =	vadd.s32 v6, v7  }
0x196: {  	[tilespmem:s16], [sflag:$0x1] =	stream.indirect_vreg.gather [hbm4b:s8+s4], $0x80, v8, vm0, $0xb8;
	[tilespmem:$0x1B200] =	vst v63  }
0x197: {  	_ = 	snop  }
0x198: {  	[tilespmem:s17], [sflag:$0x1] =	stream.indirect_vreg.gather [hbm4b:s9+s4], $0x80, v8, vm0, $0xb8;
	[tilespmem:$0x1B200] =	vst v63  }
0x199: {  	_ = 	snop  }
0x19a: {  	[tilespmem:s18], [sflag:$0x1] =	stream.indirect_vreg.gather [hbm4b:s1+s4], $0x80, v7, vm0, $0xb8;
	[tilespmem:$0x1B200] =	vst v63  }
0x19b: {  	_ = 	snop  }
0x19c: {  	[tilespmem:s19], [sflag:$0x1] =	stream.indirect_vreg.gather [hbm4b:s8+s4], $0x80, v7, vm0, $0xb8;
	[tilespmem:$0x1B200] =	vst v63  }
0x19d: {  	_ = 	snop  }
0x19e: {  	[tilespmem:s20], [sflag:$0x1] =	stream.indirect_vreg.gather [hbm4b:s9+s4], $0x80, v7, vm0, $0xb8;
	[tilespmem:$0x1B200] =	vst v63  }
0x19f: {  	v7 =	vld [tilespmem:$0xD0];
	_ =	sdelay $0x4  }
0x1a0: {  	v8 =	vshrl.u32 v7, $0x3  }
0x1a1: {  	v8 =	vmul.u32 $0x30, v8  }
0x1a2: {  	v7 =	vand.u32 $0x7, v7  }
0x1a3: {  	v7 =	vor.u32 v7, v8  }
0x1a4: {  	v8 =	vperm.xlane v7, v0;
	_ =	sdelay $0x1  }
0x1a5: {  	v8 =	vadd.s32 v6, v8;
	_ =	sdelay $0x3  }
0x1a6: {  	v7 =	vperm.xlane v7, v2  }
0x1a7: {  	[tilespmem:s21], [sflag:$0x1] =	stream.indirect_vreg.gather [hbm4b:s1+s4], $0x80, v8, vm0, $0xb8;
	[tilespmem:$0x1B200] =	vst v63  }
0x1a8: {  	v7 =	vadd.s32 v6, v7  }
0x1a9: {  	[tilespmem:s22], [sflag:$0x1] =	stream.indirect_vreg.gather [hbm4b:s8+s4], $0x80, v8, vm0, $0xb8;
	[tilespmem:$0x1B200] =	vst v63  }
0x1aa: {  	_ = 	snop  }
0x1ab: {  	[tilespmem:s23], [sflag:$0x1] =	stream.indirect_vreg.gather [hbm4b:s9+s4], $0x80, v8, vm0, $0xb8;
	[tilespmem:$0x1B200] =	vst v63  }
0x1ac: {  	_ = 	snop  }
0x1ad: {  	[tilespmem:s24], [sflag:$0x1] =	stream.indirect_vreg.gather [hbm4b:s1+s4], $0x80, v7, vm0, $0xb8;
	[tilespmem:$0x1B200] =	vst v63  }
0x1ae: {  	_ = 	snop  }
0x1af: {  	[tilespmem:s25], [sflag:$0x1] =	stream.indirect_vreg.gather [hbm4b:s8+s4], $0x80, v7, vm0, $0xb8;
	[tilespmem:$0x1B200] =	vst v63  }
0x1b0: {  	_ = 	snop  }
0x1b1: {  	[tilespmem:s26], [sflag:$0x1] =	stream.indirect_vreg.gather [hbm4b:s9+s4], $0x80, v7, vm0, $0xb8;
	[tilespmem:$0x1B200] =	vst v63  }
0x1b2: {  	v7 =	vld [tilespmem:$0xE0];
	_ =	sdelay $0x4  }
0x1b3: {  	v8 =	vshrl.u32 v7, $0x3  }
0x1b4: {  	v8 =	vmul.u32 $0x30, v8  }
0x1b5: {  	v7 =	vand.u32 $0x7, v7  }
0x1b6: {  	v7 =	vor.u32 v7, v8  }
0x1b7: {  	v8 =	vperm.xlane v7, v0;
	_ =	sdelay $0x1  }
0x1b8: {  	v8 =	vadd.s32 v6, v8;
	_ =	sdelay $0x3  }
0x1b9: {  	v7 =	vperm.xlane v7, v2  }
0x1ba: {  	[tilespmem:s28], [sflag:$0x1] =	stream.indirect_vreg.gather [hbm4b:s1+s4], $0x80, v8, vm0, $0xb8;
	[tilespmem:$0x1B200] =	vst v63  }
0x1bb: {  	v7 =	vadd.s32 v6, v7  }
0x1bc: {  	[tilespmem:s29], [sflag:$0x1] =	stream.indirect_vreg.gather [hbm4b:s8+s4], $0x80, v8, vm0, $0xb8;
	[tilespmem:$0x1B200] =	vst v63  }
0x1bd: {  	_ = 	snop  }
0x1be: {  	[tilespmem:s30], [sflag:$0x1] =	stream.indirect_vreg.gather [hbm4b:s9+s4], $0x80, v8, vm0, $0xb8;
	[tilespmem:$0x1B200] =	vst v63  }
0x1bf: {  	_ = 	snop  }
0x1c0: {  	[tilespmem:s31], [sflag:$0x1] =	stream.indirect_vreg.gather [hbm4b:s1+s4], $0x80, v7, vm0, $0xb8;
	[tilespmem:$0x1B200] =	vst v63  }
0x1c1: {  	_ = 	snop  }
0x1c2: {  	[tilespmem:s3], [sflag:$0x1] =	stream.indirect_vreg.gather [hbm4b:s8+s4], $0x80, v7, vm0, $0xb8;
	[tilespmem:$0x1B200] =	vst v63  }
0x1c3: {  	s16 =	simm.s32 $0x8980  }
0x1c4: {  	[tilespmem:s16], [sflag:$0x1] =	stream.indirect_vreg.gather [hbm4b:s9+s4], $0x80, v7, vm0, $0xb8;
	[tilespmem:$0x1B200] =	vst v63  }
0x1c5: {  	_ =	swait.ge [sflag:s5], $0x9000  }
0x1c6: {  	[sflag:s5] =	ssyncset.done $0x0  }
0x1c7: {  	s3 =	rddreg [dreg:$0x1a];
	[sflag:s5] =	ssyncadd.s32 $0xFFFF7000  }
0x1c8: {  	[hbm4b:s3+s4] =	stream.linear.scatter [tilespmem:s2], [sflag:$0x4], $0x9000, $0x38;
	[tilespmem:$0x1B200] =	vst v63  }
0x1c9: {  	_ =	swait.ge [sflag:s12], $0x9000  }
0x1ca: {  	[sflag:s12] =	ssyncset.done $0x0  }
0x1cb: {  	[sflag:s12] =	ssyncadd.s32 $0xFFFF7000  }
0x1cc: {  	v7 =	vld [tilespmem:$0xF0];
	_ =	sdelay $0x4  }
0x1cd: {  	v8 =	vshrl.u32 v7, $0x3  }
0x1ce: {  	v8 =	vmul.u32 $0x30, v8  }
0x1cf: {  	v7 =	vand.u32 $0x7, v7  }
0x1d0: {  	v7 =	vor.u32 v7, v8  }
0x1d1: {  	v8 =	vperm.xlane v7, v0;
	_ =	sdelay $0x1  }
0x1d2: {  	v8 =	vadd.s32 v6, v8;
	_ =	sdelay $0x3  }
0x1d3: {  	v7 =	vperm.xlane v7, v2  }
0x1d4: {  	[tilespmem:s2], [sflag:$0x2] =	stream.indirect_vreg.gather [hbm4b:s1+s4], $0x80, v8, vm0, $0xb8;
	[tilespmem:$0x1B200] =	vst v63  }
0x1d5: {  	s16 =	simm.s32 $0x9980;
	v7 =	vadd.s32 v6, v7  }
0x1d6: {  	[tilespmem:s16], [sflag:$0x2] =	stream.indirect_vreg.gather [hbm4b:s8+s4], $0x80, v8, vm0, $0xb8;
	[tilespmem:$0x1B200] =	vst v63  }
0x1d7: {  	s15 =	simm.s32 $0xA180  }
0x1d8: {  	[tilespmem:s15], [sflag:$0x2] =	stream.indirect_vreg.gather [hbm4b:s9+s4], $0x80, v8, vm0, $0xb8;
	[tilespmem:$0x1B200] =	vst v63  }
0x1d9: {  	s16 =	simm.s32 $0xA980  }
0x1da: {  	[tilespmem:s16], [sflag:$0x2] =	stream.indirect_vreg.gather [hbm4b:s1+s4], $0x80, v7, vm0, $0xb8;
	[tilespmem:$0x1B200] =	vst v63  }
0x1db: {  	s15 =	simm.s32 $0xB180  }
0x1dc: {  	[tilespmem:s15], [sflag:$0x2] =	stream.indirect_vreg.gather [hbm4b:s8+s4], $0x80, v7, vm0, $0xb8;
	[tilespmem:$0x1B200] =	vst v63  }
0x1dd: {  	s16 =	simm.s32 $0xB980  }
0x1de: {  	[tilespmem:s16], [sflag:$0x2] =	stream.indirect_vreg.gather [hbm4b:s9+s4], $0x80, v7, vm0, $0xb8;
	[tilespmem:$0x1B200] =	vst v63  }
0x1df: {  	v7 =	vld [tilespmem:$0x100];
	_ =	sdelay $0x4  }
0x1e0: {  	v8 =	vshrl.u32 v7, $0x3  }
0x1e1: {  	v8 =	vmul.u32 $0x30, v8  }
0x1e2: {  	v7 =	vand.u32 $0x7, v7  }
0x1e3: {  	v7 =	vor.u32 v7, v8  }
0x1e4: {  	v8 =	vperm.xlane v7, v0;
	_ =	sdelay $0x1  }
0x1e5: {  	v8 =	vadd.s32 v6, v8;
	_ =	sdelay $0x3  }
0x1e6: {  	s15 =	simm.s32 $0xC180;
	v7 =	vperm.xlane v7, v2  }
0x1e7: {  	[tilespmem:s15], [sflag:$0x2] =	stream.indirect_vreg.gather [hbm4b:s1+s4], $0x80, v8, vm0, $0xb8;
	[tilespmem:$0x1B200] =	vst v63  }
0x1e8: {  	s16 =	simm.s32 $0xC980;
	v7 =	vadd.s32 v6, v7  }
0x1e9: {  	[tilespmem:s16], [sflag:$0x2] =	stream.indirect_vreg.gather [hbm4b:s8+s4], $0x80, v8, vm0, $0xb8;
	[tilespmem:$0x1B200] =	vst v63  }
0x1ea: {  	s15 =	simm.s32 $0xD180  }
0x1eb: {  	[tilespmem:s15], [sflag:$0x2] =	stream.indirect_vreg.gather [hbm4b:s9+s4], $0x80, v8, vm0, $0xb8;
	[tilespmem:$0x1B200] =	vst v63  }
0x1ec: {  	s16 =	simm.s32 $0xD980  }
0x1ed: {  	[tilespmem:s16], [sflag:$0x2] =	stream.indirect_vreg.gather [hbm4b:s1+s4], $0x80, v7, vm0, $0xb8;
	[tilespmem:$0x1B200] =	vst v63  }
0x1ee: {  	s15 =	simm.s32 $0xE180  }
0x1ef: {  	[tilespmem:s15], [sflag:$0x2] =	stream.indirect_vreg.gather [hbm4b:s8+s4], $0x80, v7, vm0, $0xb8;
	[tilespmem:$0x1B200] =	vst v63  }
0x1f0: {  	s16 =	simm.s32 $0xE980  }
0x1f1: {  	[tilespmem:s16], [sflag:$0x2] =	stream.indirect_vreg.gather [hbm4b:s9+s4], $0x80, v7, vm0, $0xb8;
	[tilespmem:$0x1B200] =	vst v63  }
0x1f2: {  	v7 =	vld [tilespmem:$0x110];
	_ =	sdelay $0x4  }
0x1f3: {  	v8 =	vshrl.u32 v7, $0x3  }
0x1f4: {  	v8 =	vmul.u32 $0x30, v8  }
0x1f5: {  	v7 =	vand.u32 $0x7, v7  }
0x1f6: {  	v7 =	vor.u32 v7, v8  }
0x1f7: {  	v8 =	vperm.xlane v7, v0;
	_ =	sdelay $0x1  }
0x1f8: {  	v8 =	vadd.s32 v6, v8;
	_ =	sdelay $0x3  }
0x1f9: {  	s15 =	simm.s32 $0xF180;
	v7 =	vperm.xlane v7, v2  }
0x1fa: {  	[tilespmem:s15], [sflag:$0x2] =	stream.indirect_vreg.gather [hbm4b:s1+s4], $0x80, v8, vm0, $0xb8;
	[tilespmem:$0x1B200] =	vst v63  }
0x1fb: {  	s16 =	simm.s32 $0xF980;
	v7 =	vadd.s32 v6, v7  }
0x1fc: {  	[tilespmem:s16], [sflag:$0x2] =	stream.indirect_vreg.gather [hbm4b:s8+s4], $0x80, v8, vm0, $0xb8;
	[tilespmem:$0x1B200] =	vst v63  }
0x1fd: {  	s15 =	simm.s32 $0x10180  }
0x1fe: {  	[tilespmem:s15], [sflag:$0x2] =	stream.indirect_vreg.gather [hbm4b:s9+s4], $0x80, v8, vm0, $0xb8;
	[tilespmem:$0x1B200] =	vst v63  }
0x1ff: {  	s16 =	simm.s32 $0x10980  }
0x200: {  	[tilespmem:s16], [sflag:$0x2] =	stream.indirect_vreg.gather [hbm4b:s1+s4], $0x80, v7, vm0, $0xb8;
	[tilespmem:$0x1B200] =	vst v63  }
0x201: {  	s15 =	simm.s32 $0x11180  }
0x202: {  	[tilespmem:s15], [sflag:$0x2] =	stream.indirect_vreg.gather [hbm4b:s8+s4], $0x80, v7, vm0, $0xb8;
	[tilespmem:$0x1B200] =	vst v63  }
0x203: {  	s16 =	simm.s32 $0x11980  }
0x204: {  	[tilespmem:s16], [sflag:$0x2] =	stream.indirect_vreg.gather [hbm4b:s9+s4], $0x80, v7, vm0, $0xb8;
	[tilespmem:$0x1B200] =	vst v63  }
0x205: {  	_ =	swait.ge [sflag:s14], $0x9000  }
0x206: {  	[sflag:s14] =	ssyncset.done $0x0  }
0x207: {  	s3 =	rddreg [dreg:$0x1b];
	[sflag:s14] =	ssyncadd.s32 $0xFFFF7000  }
0x208: {  	[hbm4b:s3+s4] =	stream.linear.scatter [tilespmem:s0], [sflag:$0x4], $0x9000, $0x38;
	[tilespmem:$0x1B200] =	vst v63  }
0x209: {  	_ =	swait.ge [sflag:s12], $0x9000  }
0x20a: {  	[sflag:s12] =	ssyncset.done $0x0  }
0x20b: {  	[sflag:s12] =	ssyncadd.s32 $0xFFFF7000  }
0x20c: {  	_ =	swait.ge [sflag:s5], $0x9000  }
0x20d: {  	[sflag:s5] =	ssyncset.done $0x0  }
0x20e: {  	s16 =	rddreg [dreg:$0x1c];
	[sflag:s5] =	ssyncadd.s32 $0xFFFF7000  }
0x20f: {  	[hbm4b:s16+s4] =	stream.linear.scatter [tilespmem:s2], [sflag:$0x4], $0x9000, $0x38;
	[tilespmem:$0x1B200] =	vst v63  }
0x210: {  	_ =	swait.ge [sflag:s12], $0x9000  }
0x211: {  	[sflag:s12] =	ssyncset.done $0x0  }
0x212: {  	[sflag:s12] =	ssyncadd.s32 $0xFFFF7000  }
0x213: {  	_ =	swait.ge [sflag:s13], $0x9000  }
0x214: {  	[sflag:s13] =	ssyncset.done $0x0  }
0x215: {  	[sflag:s13] =	ssyncadd.s32 $0xFFFF7000  }
0x216: {  	_ =	swait.ge [sflag:s13], $0x9000  }
0x217: {  	[sflag:s13] =	ssyncset.done $0x0  }
0x218: {  	[sflag:s13] =	ssyncadd.s32 $0xFFFF7000  }
0x219: {  	_ =	swait.ge [sflag:s13], $0x9000  }
0x21a: {  	[sflag:s13] =	ssyncset.done $0x0  }
0x21b: {  	[sflag:s13] =	ssyncadd.s32 $0xFFFF7000  }
0x21c: {  	_ =	swait.ge [sflag:s13], $0x9000  }
0x21d: {  	[sflag:s13] =	ssyncset.done $0x0  }
0x21e: {  	[sflag:s13] =	ssyncadd.s32 $0xFFFF7000  }
0x21f: {  	_ =	swait.ge [sflag:s13], $0x9000  }
0x220: {  	[sflag:s13] =	ssyncset.done $0x0  }
0x221: {  	[sflag:s13] =	ssyncadd.s32 $0xFFFF7000  }
0x222: {  	_ =	swait.ge [sflag:s13], $0x9000  }
0x223: {  	[sflag:s13] =	ssyncset.done $0x0  }
0x224: {  	[sflag:s13] =	ssyncadd.s32 $0xFFFF7000  }
0x225: {  	_ =	swait.ge [sflag:s13], $0x9000  }
0x226: {  	[sflag:s13] =	ssyncset.done $0x0  }
0x227: {  	[sflag:s13] =	ssyncadd.s32 $0xFFFF7000  }
0x228: {  	_ =	swait.ge [sflag:s13], $0x9000  }
0x229: {  	[sflag:s13] =	ssyncset.done $0x0  }
0x22a: {  	[sflag:s13] =	ssyncadd.s32 $0xFFFF7000  }
0x22b: {  	_ =	swait.ge [sflag:s13], $0x9000  }
0x22c: {  	[sflag:s13] =	ssyncset.done $0x0  }
0x22d: {  	[sflag:s13] =	ssyncadd.s32 $0xFFFF7000  }
0x22e: {  	_ =	swait.ge [sflag:s13], $0x9000  }
0x22f: {  	[sflag:s13] =	ssyncset.done $0x0  }
0x230: {  	[sflag:s13] =	ssyncadd.s32 $0xFFFF7000  }
0x231: {  	_ =	swait.ge [sflag:s13], $0x9000  }
0x232: {  	[sflag:s13] =	ssyncset.done $0x0  }
0x233: {  	[sflag:s13] =	ssyncadd.s32 $0xFFFF7000  }
0x234: {  	_ =	swait.ge [sflag:s13], $0x9000  }
0x235: {  	[sflag:s13] =	ssyncset.done $0x0  }
0x236: {  	[sflag:s13] =	ssyncadd.s32 $0xFFFF7000  }
0x237: {  	_ =	swait.ge [sflag:s13], $0x9000  }
0x238: {  	[sflag:s13] =	ssyncset.done $0x0  }
0x239: {  	[sflag:s13] =	ssyncadd.s32 $0xFFFF7000  }
0x23a: {  	_ =	swait.ge [sflag:s13], $0x9000  }
0x23b: {  	[sflag:s13] =	ssyncset.done $0x0  }
0x23c: {  	[sflag:s13] =	ssyncadd.s32 $0xFFFF7000  }
0x23d: {  	_ =	swait.ge [sflag:s13], $0x9000  }
0x23e: {  	[sflag:s13] =	ssyncset.done $0x0  }
0x23f: {  	[sflag:s13] =	ssyncadd.s32 $0xFFFF7000  }
0x240: {  	_ =	swait.ge [sflag:s13], $0x9000  }
0x241: {  	[sflag:s13] =	ssyncset.done $0x0  }
0x242: {  	[sflag:s13] =	ssyncadd.s32 $0xFFFF7000  }
0x243: {  	p0 =	sne.s32 s10, $0x1;
	_ =	swait.ge [sflag:s13], $0x9000  }
.Ltmp0:
0x244: {  	[sflag:s13] =	ssyncset.done $0x0;
	(pc) =	sbr.rel @p0 .LBB2_1-.Ltmp0, $4  }
0x245: {  	[sflag:s13] =	ssyncadd.s32 $0xFFFF7000  }
0x246: {  	_ =	swait.ge [sflag:s13], $0x9000  }
0x247: {  	[sflag:s13] =	ssyncset.done $0x0  }
0x248: {  	s10 =	sadd.s32 $0xFFFFFFFF, s10;
	[sflag:s13] =	ssyncadd.s32 $0xFFFF7000  }
0x249: {  	_ =	sfence.sel $0x180000  }
0x24a: {  	[bflag:$0x0] =	sbarrier.arrive $0xFFFF  }
0x24b: {  	_ =	strace $0x90000047  }
0x24c: {  	s0 =	stileid.u32;
	[bflag:$0x2] =	sbarrier.arrive $0xFFFF  }
0x24d: {  	p0 =	sne.s32 s0, $0x0;
	s0 =	rddreg [dreg:$0x4]  }
0x24e: {  	s0 =	sadd.s32 @!p0 $0x100000, s0  }
0x24f: {  	[sflag:s0] =	ssyncadd.tile.s32 @!p0 $0x1;
	_ =	shalt  }
.Lfunc_end2:
_tile_overlayer_lowered:
.L_overlay_start_2:
0x250: {  	(tag) =	ssettag $0x2  }
0x251: {  	s0 =	rddreg [dreg:$0x0];
	s2 =	stileid.u32  }
0x252: {  	s1 =	rddreg [dreg:$0x1];
	p0 =	sne.s32 s2, $0x0  }
0x253: {  	s3 =	rddreg [dreg:$0x2];
	[bflag:$0x3] =	sbarrier.arrive $0xFFFF;
	s2 =	simm.s32 @!p0 $0x1C04  }
0x254: {  	[timem:s3], [sflag:s2] =	dma.local @!p0 [hbm:s0], s1  }
0x255: {  	s0 =	simm.s32 @!p0 $0x4  }
0x256: {  	_ =	swait.ge @!p0 [sflag:s0], s1  }
0x257: {  	s1 =	ssub.s32 @!p0 $0x0, s1;
	[sflag:s0] =	ssyncset.done @!p0 $0x0  }
0x258: {  	[sflag:s0] =	ssyncadd.s32 @!p0 s1  }
0x259: {  	[bflag:$0x3] =	sbarrier.arrive $0xFFFF  }
0x25a: {  	_ =	shalt  }

</sc_bundles>
